<compile_context>
chip_gen: v7x
topology: tpu7x:2x2x1
jax: 0.10.2.dev20260603
libtpu: 0.0.44.dev20260713+nightly
codegen_flags: <defaults>
</compile_context>

<pallas_src>
import functools

import jax
import jax.numpy as jnp
from jax import lax
from jax.experimental import pallas as pl
from jax.experimental.pallas import tpu as pltpu
from jax.experimental.pallas import tpu_sc as plsc

S = 4096
D = 2048
E = 16
CAP = 256

BT1 = 1024
NB1 = S // BT1
BND = BT1 // 16
BT2 = 512
NB2 = S // BT2
NW = 32
TPT = S // NW
LANES = 16


def _tc1_body(x_ref, w_ref, exp_ref, gate_ref, cntpre_ref, counts_ref,
              laux_ref, me_acc, cnt_acc):
    g = pl.program_id(0)
    logits = lax.dot_general(w_ref[...], x_ref[...], (((1,), (1,)), ((), ())),
                             preferred_element_type=jnp.float32)
    lmax = jnp.max(logits, axis=0, keepdims=True)
    ex = jnp.exp(logits - lmax)
    den = jnp.sum(ex, axis=0, keepdims=True)
    inv_den = 1.0 / den

    iota_e = lax.broadcasted_iota(jnp.int32, (E, BT1), 0)
    eq = logits == lmax
    expert = jnp.min(jnp.where(eq, iota_e, E), axis=0, keepdims=True)
    onehot = (iota_e == expert).astype(jnp.float32)

    exp_ref[...] = expert.reshape(BT1)
    ones_e = jnp.ones((E, 1), jnp.float32)
    den_col = lax.dot_general(ex, ones_e, (((0,), (0,)), ((), ())),
                              preferred_element_type=jnp.float32)
    gate_ref[...] = 1.0 / den_col

    @pl.when(g == 0)
    def _():
        cnt_acc[...] = jnp.zeros_like(cnt_acc)
        me_acc[...] = jnp.zeros_like(me_acc)

    ut = (lax.broadcasted_iota(jnp.int32, (BND, BT1), 1)
          < lax.broadcasted_iota(jnp.int32, (BND, BT1), 0) * LANES
          ).astype(jnp.float32)
    pt = lax.dot_general(ut, onehot, (((1,), (1,)), ((), ())),
                         preferred_element_type=jnp.float32)
    cntpre_ref[...] = (cnt_acc[...] + pt).astype(jnp.int32).reshape(1, BND, E)

    ones_row = jnp.ones((1, BT1), jnp.float32)
    cnt_acc[...] += lax.dot_general(ones_row, onehot, (((1,), (1,)), ((), ())),
                                    preferred_element_type=jnp.float32)
    me_acc[...] += lax.dot_general(inv_den, ex, (((1,), (1,)), ((), ())),
                                   preferred_element_type=jnp.float32)

    @pl.when(g == NB1 - 1)
    def _():
        counts_ref[...] = cnt_acc[...].astype(jnp.int32)
        laux = jnp.sum(me_acc[...] * cnt_acc[...])
        laux_ref[...] = jnp.full((1, 1), laux * (E / (S * S)), jnp.float32)


def _tc1(x, w):
    return pl.pallas_call(
        _tc1_body,
        grid=(NB1,),
        in_specs=[
            pl.BlockSpec((BT1, D), lambda g: (g, 0)),
            pl.BlockSpec((E, D), lambda g: (0, 0)),
        ],
        out_specs=[
            pl.BlockSpec((BT1,), lambda g: (g,)),
            pl.BlockSpec((BT1, 1), lambda g: (g, 0)),
            pl.BlockSpec((1, BND, E), lambda g: (g, 0, 0)),
            pl.BlockSpec((1, E), lambda g: (0, 0)),
            pl.BlockSpec((1, 1), lambda g: (0, 0)),
        ],
        out_shape=[
            jax.ShapeDtypeStruct((S,), jnp.int32),
            jax.ShapeDtypeStruct((S, 1), jnp.float32),
            jax.ShapeDtypeStruct((NB1, BND, E), jnp.int32),
            jax.ShapeDtypeStruct((1, E), jnp.int32),
            jax.ShapeDtypeStruct((1, 1), jnp.float32),
        ],
        scratch_shapes=[pltpu.VMEM((1, E), jnp.float32),
                        pltpu.VMEM((1, E), jnp.float32)],
        compiler_params=pltpu.CompilerParams(
            dimension_semantics=("arbitrary",)),
    )(x, w)


def _gather16(x, idx):
    return lax.gather(
        x, idx[:, None],
        lax.GatherDimensionNumbers(offset_dims=(),
                                   collapsed_slice_dims=(0,),
                                   start_index_map=(0,)),
        slice_sizes=(1,),
        mode=lax.GatherScatterMode.PROMISE_IN_BOUNDS)


def _sc_route_body(exp_hbm, cntpre_hbm, col_hbm, e_v, col_v, pre_v):
    c = lax.axis_index("c")
    s = lax.axis_index("s")
    wid = c * 16 + s
    base = wid * TPT
    pltpu.sync_copy(exp_hbm.at[pl.ds(base, TPT)], e_v)
    pltpu.sync_copy(cntpre_hbm.at[pl.ds(wid * (TPT // LANES), TPT // LANES)],
                    pre_v)

    lane = lax.iota(jnp.int32, LANES)

    def body(v, _):
        off = pl.multiple_of(v * LANES, LANES)
        e = e_v[pl.ds(off, LANES)]
        pre = pre_v[v]
        before = lane * 0
        for k in range(1, LANES):
            idx = (lane - k) & (LANES - 1)
            eqk = 1 - jnp.minimum(jnp.abs(e - _gather16(e, idx)), 1)
            if k > 1:
                gek = jnp.minimum(jnp.maximum(lane - (k - 1), 0), 1)
                before = before + eqk * gek
            else:
                before = before + eqk * jnp.minimum(lane, 1)
        rank = _gather16(pre, e) + before
        valid = 1 - jnp.minimum(jnp.maximum(rank - (CAP - 1), 0), 1)
        col_v[pl.ds(off, LANES)] = valid * (e * CAP + rank + 1) - 1
        return 0

    lax.fori_loop(0, TPT // LANES, body, 0)
    pltpu.sync_copy(col_v, col_hbm.at[pl.ds(base, TPT)])


def _sc_route(expert, cntpre):
    return pl.kernel(
        _sc_route_body,
        mesh=plsc.VectorSubcoreMesh(core_axis_name="c", subcore_axis_name="s"),
        out_type=jax.ShapeDtypeStruct((S,), jnp.int32),
        scratch_types=[
            pltpu.VMEM((TPT,), jnp.int32),
            pltpu.VMEM((TPT,), jnp.int32),
            pltpu.VMEM((TPT // LANES, E), jnp.int32),
        ],
    )(expert, cntpre)


def _tc2_body(col_ref, gate_ref, comb_ref, disp_ref):
    flat = (lax.broadcasted_iota(jnp.int32, (BT2, E, CAP), 1) * CAP
            + lax.broadcasted_iota(jnp.int32, (BT2, E, CAP), 2))
    eq = flat == col_ref[...].reshape(BT2, 1, 1)
    comb_ref[...] = jnp.where(eq, gate_ref[...].reshape(BT2, 1, 1), 0.0)
    disp_ref[...] = eq.astype(jnp.int8)


def _tc2(col, gate):
    return pl.pallas_call(
        _tc2_body,
        grid=(NB2,),
        in_specs=[
            pl.BlockSpec((BT2, 1), lambda g: (g, 0)),
            pl.BlockSpec((BT2, 1), lambda g: (g, 0)),
        ],
        out_specs=[
            pl.BlockSpec((BT2, E, CAP), lambda g: (g, 0, 0)),
            pl.BlockSpec((BT2, E, CAP), lambda g: (g, 0, 0)),
        ],
        out_shape=[
            jax.ShapeDtypeStruct((S, E, CAP), jnp.float32),
            jax.ShapeDtypeStruct((S, E, CAP), jnp.int8),
        ],
        compiler_params=pltpu.CompilerParams(
            dimension_semantics=("parallel",)),
    )(col, gate)


def kernel(inputs, W):
    expert, gate, cntpre, counts, laux = _tc1(inputs, W)
    col = _sc_route(expert, cntpre.reshape(NB1 * BND, E))
    comb, disp = _tc2(col.reshape(S, 1), gate)
    return (laux.reshape(()), comb, disp.astype(jnp.bool_), counts.reshape(E))

# --- scband reference (transcript-rebuilt; emitter-appended) ---
"""Pipeline reference for scband-top-kgate-2834678415770 (READ-ONLY COPY).

The authoritative reference and input builder live on the scoring server;
editing this copy changes nothing except your own understanding.
"""

import jax, jax.numpy as jnp
import numpy as np

S = 4096
D = 2048
E = 16
CAP = 256  # ceil(S / E * capacity_factor=1.0), > min_capacity=8


def setup_inputs(seed: int = 0) -> dict:
    key = jax.random.key(seed)
    k1, k2 = jax.random.split(key)
    inputs = jax.random.normal(k1, (S, D), dtype=jnp.float32)
    # wg: torch.nn.Linear(model_dim, num_experts, bias=False) -> weight [E, D]
    W = jax.random.normal(k2, (E, D), dtype=jnp.float32) * (1.0 / np.sqrt(D))
    return {"inputs": inputs, "W": W}


def reference(inputs, W):
    # TopKGate.forward with k=1, noisy_gate_policy=None, drop_tokens=True, use_rts=False
    input_fp32 = inputs.astype(jnp.float32)
    logits = input_fp32 @ W.T  # [S, E]
    gates = jax.nn.softmax(logits, axis=1)
    num_tokens, num_experts = gates.shape
    capacity = CAP  # static: ceil(num_tokens / num_experts * 1.0) >= min_capacity
    indices = jnp.argmax(gates, axis=1)
    mask = jax.nn.one_hot(indices, num_experts, dtype=jnp.int32)  # [S, E]
    exp_counts = jnp.sum(mask, axis=0)
    me = jnp.mean(gates, axis=0)
    ce = jnp.mean(mask.astype(jnp.float32), axis=0)
    l_aux = jnp.sum(me * ce) * num_experts
    # use_rts=False -> mask_rand = mask; topk along token dim (dim=0) per expert
    top_idx = jax.lax.top_k(mask.T.astype(jnp.float32), capacity)[1]  # [E, CAP]
    keep = jnp.zeros((num_tokens, num_experts), dtype=jnp.int32)
    col = jnp.arange(num_experts)[:, None]  # [E, 1] broadcast against top_idx [E, CAP]
    keep = keep.at[top_idx, col].set(1)  # scatter along dim 0
    mask = mask * keep
    locations = jnp.cumsum(mask, axis=0) - 1
    locations_s = jnp.sum(locations * mask, axis=1)
    mask_float = mask.astype(jnp.float32)
    gates = gates * mask_float
    locations_sc = jax.nn.one_hot(locations_s, capacity, dtype=jnp.float32)  # [S, CAP]
    combine_weights = jnp.einsum('se,sc->sec', gates, locations_sc)  # [S, E, CAP]
    dispatch_mask = combine_weights.astype(bool)
    return (l_aux, combine_weights, dispatch_mask, exp_counts)

if __name__ == "__main__":
    import jax
    _d = setup_inputs()
    print(jax.jit(kernel)(*tuple(_d.values())))

</pallas_src>

<mosaic_0001>
#map = affine_map<(d0, d1) -> (0)>
#map1 = affine_map<(d0, d1) -> (0, 0)>
module attributes {stable_mosaic.version = 14 : i64} {
  func.func @_sc_route_body(%arg0: i32, %arg1: i32, %arg2: memref<4096xi32, #tpu.memory_space<hbm>>, %arg3: memref<256x16xi32, #tpu.memory_space<hbm>>, %arg4: memref<4096xi32, #tpu.memory_space<hbm>>, %arg5: memref<128xi32, #tpu.memory_space<vmem>>, %arg6: memref<128xi32, #tpu.memory_space<vmem>>, %arg7: memref<8x16xi32, #tpu.memory_space<vmem>>) attributes {dimension_semantics = [#tpu.dimension_semantics<core_parallel>, #tpu.dimension_semantics<subcore_parallel>], iteration_bounds = array<i64: 2, 16>, scalar_prefetch = 0 : i64, scratch_operands = 3 : i64, tpu.core_type = #tpu.core_type<sc_vector_subcore>, window_params = [{transform_indices = #map}, {transform_indices = #map1}, {transform_indices = #map}]} {
    %mul3A = arith.constant 16 : i32
    %mul3A_0 = arith.muli %arg0, %mul3A : i32
    %add3A = arith.addi %mul3A_0, %arg1 : i32
    %mul3A_1 = arith.constant 128 : i32
    %mul3A_2 = arith.muli %add3A, %mul3A_1 : i32
    "tpu.region"() ({
      %run_scoped3A = tpu.sem_alloc : memref<!tpu.dma_semaphore, #tpu.memory_space<semaphore_mem>>
      %dma_start3A = tpu.memref_slice %arg2[%mul3A_2] : memref<4096xi32, #tpu.memory_space<hbm>> -> memref<128xi32, #tpu.memory_space<hbm>>
      %dma_start3A_11 = tpu.memref_slice %arg2[%mul3A_2] : memref<4096xi32, #tpu.memory_space<hbm>> -> memref<128xi32, #tpu.memory_space<hbm>>
      tpu.enqueue_dma source(%dma_start3A_11 : memref<128xi32, #tpu.memory_space<hbm>>) target(%arg5 : memref<128xi32, #tpu.memory_space<vmem>>) target_semaphore(%run_scoped3A : memref<!tpu.dma_semaphore, #tpu.memory_space<semaphore_mem>>)
      %dma_wait3A = tpu.memref_slice %arg2[%mul3A_2] : memref<4096xi32, #tpu.memory_space<hbm>> -> memref<128xi32, #tpu.memory_space<hbm>>
      %dma_wait3A_12 = tpu.memref_slice %arg2[%mul3A_2] : memref<4096xi32, #tpu.memory_space<hbm>> -> memref<128xi32, #tpu.memory_space<hbm>>
      tpu.wait_dma2 semaphore(%run_scoped3A : memref<!tpu.dma_semaphore, #tpu.memory_space<semaphore_mem>>) src(%dma_wait3A_12 : memref<128xi32, #tpu.memory_space<hbm>>) dst(%arg5 : memref<128xi32, #tpu.memory_space<vmem>>)
      tpu.yield
    }) : () -> ()
    %mul3A_3 = arith.constant 8 : i32
    %mul3A_4 = arith.muli %add3A, %mul3A_3 : i32
    "tpu.region"() ({
      %run_scoped3A = tpu.sem_alloc : memref<!tpu.dma_semaphore, #tpu.memory_space<semaphore_mem>>
      %dma_start3A = arith.constant 0 : i32
      %dma_start3A_11 = tpu.memref_slice %arg3[%mul3A_4, %dma_start3A] : memref<256x16xi32, #tpu.memory_space<hbm>> -> memref<8x16xi32, #tpu.memory_space<hbm>>
      %dma_start3A_12 = arith.constant 0 : i32
      %dma_start3A_13 = tpu.memref_slice %arg3[%mul3A_4, %dma_start3A_12] : memref<256x16xi32, #tpu.memory_space<hbm>> -> memref<8x16xi32, #tpu.memory_space<hbm>>
      tpu.enqueue_dma source(%dma_start3A_13 : memref<8x16xi32, #tpu.memory_space<hbm>>) target(%arg7 : memref<8x16xi32, #tpu.memory_space<vmem>>) target_semaphore(%run_scoped3A : memref<!tpu.dma_semaphore, #tpu.memory_space<semaphore_mem>>)
      %dma_wait3A = arith.constant 0 : i32
      %dma_wait3A_14 = tpu.memref_slice %arg3[%mul3A_4, %dma_wait3A] : memref<256x16xi32, #tpu.memory_space<hbm>> -> memref<8x16xi32, #tpu.memory_space<hbm>>
      %dma_wait3A_15 = arith.constant 0 : i32
      %dma_wait3A_16 = tpu.memref_slice %arg3[%mul3A_4, %dma_wait3A_15] : memref<256x16xi32, #tpu.memory_space<hbm>> -> memref<8x16xi32, #tpu.memory_space<hbm>>
      tpu.wait_dma2 semaphore(%run_scoped3A : memref<!tpu.dma_semaphore, #tpu.memory_space<semaphore_mem>>) src(%dma_wait3A_16 : memref<8x16xi32, #tpu.memory_space<hbm>>) dst(%arg7 : memref<8x16xi32, #tpu.memory_space<vmem>>)
      tpu.yield
    }) : () -> ()
    %iota3A = tpu.iota {dimensions = array<i32: 0>} : vector<16xi32>
    %scan3A = arith.constant 0 : i32
    %scan3A_5 = arith.constant 0 : i32
    %scan3A_6 = arith.constant 8 : i32
    %scan3A_7 = arith.addi %scan3A_5, %scan3A_6 : i32
    %scan3A_8 = arith.constant 1 : i32
    %scan3A_9 = scf.for %scan3A_11 = %scan3A_5 to %scan3A_7 step %scan3A_8 iter_args(%scan3A_12 = %scan3A) -> (i32)  : i32 {
      %mul3A_13 = arith.constant 16 : i32
      %mul3A_14 = arith.muli %scan3A_11, %mul3A_13 : i32
      %multiple_of3A = tpu.assume_multiple %mul3A_14, 16 : i32
      %get3A = arith.index_cast %multiple_of3A : i32 to index
      %get3A_15 = tpu.vector_load %arg5[%get3A] {strides = array<i32>} : memref<128xi32, #tpu.memory_space<vmem>>, vector<16xi32>,
      %get3A_16 = vector.shape_cast %get3A_15 : vector<16xi32> to vector<16xi32>
      %get3A_17 = arith.index_cast %scan3A_11 : i32 to index
      %get3A_18 = arith.constant 0 : index
      %get3A_19 = tpu.vector_load %arg7[%get3A_17, %get3A_18] {strides = array<i32>} : memref<8x16xi32, #tpu.memory_space<vmem>>, vector<1x16xi32>,
      %get3A_20 = vector.shape_cast %get3A_19 : vector<1x16xi32> to vector<16xi32>
      %mul3A_21 = arith.constant 0 : i32
      %mul3A_22 = vector.broadcast %mul3A_21 : i32 to vector<16xi32>
      %mul3A_23 = arith.muli %iota3A, %mul3A_22 : vector<16xi32>
      %sub3A = arith.constant 1 : i32
      %sub3A_24 = vector.broadcast %sub3A : i32 to vector<16xi32>
      %sub3A_25 = arith.subi %iota3A, %sub3A_24 : vector<16xi32>
      %and3A = arith.constant 15 : i32
      %and3A_26 = vector.broadcast %and3A : i32 to vector<16xi32>
      %and3A_27 = arith.andi %sub3A_25, %and3A_26 : vector<16xi32>
      %broadcast_in_dim3A = vector.shape_cast %and3A_27 : vector<16xi32> to vector<16x1xi32>
      %gather3A = vector.shape_cast %broadcast_in_dim3A : vector<16x1xi32> to vector<16xi32>
      %gather3A_28 = tpu.dynamic_gather %get3A_16[%gather3A] in [0] : vector<16xi32>, vector<16xi32> -> vector<16xi32>
      %sub3A_29 = arith.subi %get3A_16, %gather3A_28 : vector<16xi32>
      %abs3A = math.absi %sub3A_29 : vector<16xi32>
      %min3A = arith.constant 1 : i32
      %min3A_30 = vector.broadcast %min3A : i32 to vector<16xi32>
      %min3A_31 = arith.minsi %abs3A, %min3A_30 : vector<16xi32>
      %sub3A_32 = arith.constant 1 : i32
      %sub3A_33 = vector.broadcast %sub3A_32 : i32 to vector<16xi32>
      %sub3A_34 = arith.subi %sub3A_33, %min3A_31 : vector<16xi32>
      %min3A_35 = arith.constant 1 : i32
      %min3A_36 = vector.broadcast %min3A_35 : i32 to vector<16xi32>
      %min3A_37 = arith.minsi %iota3A, %min3A_36 : vector<16xi32>
      %mul3A_38 = arith.muli %sub3A_34, %min3A_37 : vector<16xi32>
      %add3A_39 = arith.addi %mul3A_23, %mul3A_38 : vector<16xi32>
      %sub3A_40 = arith.constant 2 : i32
      %sub3A_41 = vector.broadcast %sub3A_40 : i32 to vector<16xi32>
      %sub3A_42 = arith.subi %iota3A, %sub3A_41 : vector<16xi32>
      %and3A_43 = arith.constant 15 : i32
      %and3A_44 = vector.broadcast %and3A_43 : i32 to vector<16xi32>
      %and3A_45 = arith.andi %sub3A_42, %and3A_44 : vector<16xi32>
      %broadcast_in_dim3A_46 = vector.shape_cast %and3A_45 : vector<16xi32> to vector<16x1xi32>
      %gather3A_47 = vector.shape_cast %broadcast_in_dim3A_46 : vector<16x1xi32> to vector<16xi32>
      %gather3A_48 = tpu.dynamic_gather %get3A_16[%gather3A_47] in [0] : vector<16xi32>, vector<16xi32> -> vector<16xi32>
      %sub3A_49 = arith.subi %get3A_16, %gather3A_48 : vector<16xi32>
      %abs3A_50 = math.absi %sub3A_49 : vector<16xi32>
      %min3A_51 = arith.constant 1 : i32
      %min3A_52 = vector.broadcast %min3A_51 : i32 to vector<16xi32>
      %min3A_53 = arith.minsi %abs3A_50, %min3A_52 : vector<16xi32>
      %sub3A_54 = arith.constant 1 : i32
      %sub3A_55 = vector.broadcast %sub3A_54 : i32 to vector<16xi32>
      %sub3A_56 = arith.subi %sub3A_55, %min3A_53 : vector<16xi32>
      %sub3A_57 = arith.constant 1 : i32
      %sub3A_58 = vector.broadcast %sub3A_57 : i32 to vector<16xi32>
      %sub3A_59 = arith.subi %iota3A, %sub3A_58 : vector<16xi32>
      %max3A = arith.constant 0 : i32
      %max3A_60 = vector.broadcast %max3A : i32 to vector<16xi32>
      %max3A_61 = arith.maxsi %sub3A_59, %max3A_60 : vector<16xi32>
      %min3A_62 = arith.constant 1 : i32
      %min3A_63 = vector.broadcast %min3A_62 : i32 to vector<16xi32>
      %min3A_64 = arith.minsi %max3A_61, %min3A_63 : vector<16xi32>
      %mul3A_65 = arith.muli %sub3A_56, %min3A_64 : vector<16xi32>
      %add3A_66 = arith.addi %add3A_39, %mul3A_65 : vector<16xi32>
      %sub3A_67 = arith.constant 3 : i32
      %sub3A_68 = vector.broadcast %sub3A_67 : i32 to vector<16xi32>
      %sub3A_69 = arith.subi %iota3A, %sub3A_68 : vector<16xi32>
      %and3A_70 = arith.constant 15 : i32
      %and3A_71 = vector.broadcast %and3A_70 : i32 to vector<16xi32>
      %and3A_72 = arith.andi %sub3A_69, %and3A_71 : vector<16xi32>
      %broadcast_in_dim3A_73 = vector.shape_cast %and3A_72 : vector<16xi32> to vector<16x1xi32>
      %gather3A_74 = vector.shape_cast %broadcast_in_dim3A_73 : vector<16x1xi32> to vector<16xi32>
      %gather3A_75 = tpu.dynamic_gather %get3A_16[%gather3A_74] in [0] : vector<16xi32>, vector<16xi32> -> vector<16xi32>
      %sub3A_76 = arith.subi %get3A_16, %gather3A_75 : vector<16xi32>
      %abs3A_77 = math.absi %sub3A_76 : vector<16xi32>
      %min3A_78 = arith.constant 1 : i32
      %min3A_79 = vector.broadcast %min3A_78 : i32 to vector<16xi32>
      %min3A_80 = arith.minsi %abs3A_77, %min3A_79 : vector<16xi32>
      %sub3A_81 = arith.constant 1 : i32
      %sub3A_82 = vector.broadcast %sub3A_81 : i32 to vector<16xi32>
      %sub3A_83 = arith.subi %sub3A_82, %min3A_80 : vector<16xi32>
      %sub3A_84 = arith.constant 2 : i32
      %sub3A_85 = vector.broadcast %sub3A_84 : i32 to vector<16xi32>
      %sub3A_86 = arith.subi %iota3A, %sub3A_85 : vector<16xi32>
      %max3A_87 = arith.constant 0 : i32
      %max3A_88 = vector.broadcast %max3A_87 : i32 to vector<16xi32>
      %max3A_89 = arith.maxsi %sub3A_86, %max3A_88 : vector<16xi32>
      %min3A_90 = arith.constant 1 : i32
      %min3A_91 = vector.broadcast %min3A_90 : i32 to vector<16xi32>
      %min3A_92 = arith.minsi %max3A_89, %min3A_91 : vector<16xi32>
      %mul3A_93 = arith.muli %sub3A_83, %min3A_92 : vector<16xi32>
      %add3A_94 = arith.addi %add3A_66, %mul3A_93 : vector<16xi32>
      %sub3A_95 = arith.constant 4 : i32
      %sub3A_96 = vector.broadcast %sub3A_95 : i32 to vector<16xi32>
      %sub3A_97 = arith.subi %iota3A, %sub3A_96 : vector<16xi32>
      %and3A_98 = arith.constant 15 : i32
      %and3A_99 = vector.broadcast %and3A_98 : i32 to vector<16xi32>
      %and3A_100 = arith.andi %sub3A_97, %and3A_99 : vector<16xi32>
      %broadcast_in_dim3A_101 = vector.shape_cast %and3A_100 : vector<16xi32> to vector<16x1xi32>
      %gather3A_102 = vector.shape_cast %broadcast_in_dim3A_101 : vector<16x1xi32> to vector<16xi32>
      %gather3A_103 = tpu.dynamic_gather %get3A_16[%gather3A_102] in [0] : vector<16xi32>, vector<16xi32> -> vector<16xi32>
      %sub3A_104 = arith.subi %get3A_16, %gather3A_103 : vector<16xi32>
      %abs3A_105 = math.absi %sub3A_104 : vector<16xi32>
      %min3A_106 = arith.constant 1 : i32
      %min3A_107 = vector.broadcast %min3A_106 : i32 to vector<16xi32>
      %min3A_108 = arith.minsi %abs3A_105, %min3A_107 : vector<16xi32>
      %sub3A_109 = arith.constant 1 : i32
      %sub3A_110 = vector.broadcast %sub3A_109 : i32 to vector<16xi32>
      %sub3A_111 = arith.subi %sub3A_110, %min3A_108 : vector<16xi32>
      %sub3A_112 = arith.constant 3 : i32
      %sub3A_113 = vector.broadcast %sub3A_112 : i32 to vector<16xi32>
      %sub3A_114 = arith.subi %iota3A, %sub3A_113 : vector<16xi32>
      %max3A_115 = arith.constant 0 : i32
      %max3A_116 = vector.broadcast %max3A_115 : i32 to vector<16xi32>
      %max3A_117 = arith.maxsi %sub3A_114, %max3A_116 : vector<16xi32>
      %min3A_118 = arith.constant 1 : i32
      %min3A_119 = vector.broadcast %min3A_118 : i32 to vector<16xi32>
      %min3A_120 = arith.minsi %max3A_117, %min3A_119 : vector<16xi32>
      %mul3A_121 = arith.muli %sub3A_111, %min3A_120 : vector<16xi32>
      %add3A_122 = arith.addi %add3A_94, %mul3A_121 : vector<16xi32>
      %sub3A_123 = arith.constant 5 : i32
      %sub3A_124 = vector.broadcast %sub3A_123 : i32 to vector<16xi32>
      %sub3A_125 = arith.subi %iota3A, %sub3A_124 : vector<16xi32>
      %and3A_126 = arith.constant 15 : i32
      %and3A_127 = vector.broadcast %and3A_126 : i32 to vector<16xi32>
      %and3A_128 = arith.andi %sub3A_125, %and3A_127 : vector<16xi32>
      %broadcast_in_dim3A_129 = vector.shape_cast %and3A_128 : vector<16xi32> to vector<16x1xi32>
      %gather3A_130 = vector.shape_cast %broadcast_in_dim3A_129 : vector<16x1xi32> to vector<16xi32>
      %gather3A_131 = tpu.dynamic_gather %get3A_16[%gather3A_130] in [0] : vector<16xi32>, vector<16xi32> -> vector<16xi32>
      %sub3A_132 = arith.subi %get3A_16, %gather3A_131 : vector<16xi32>
      %abs3A_133 = math.absi %sub3A_132 : vector<16xi32>
      %min3A_134 = arith.constant 1 : i32
      %min3A_135 = vector.broadcast %min3A_134 : i32 to vector<16xi32>
      %min3A_136 = arith.minsi %abs3A_133, %min3A_135 : vector<16xi32>
      %sub3A_137 = arith.constant 1 : i32
      %sub3A_138 = vector.broadcast %sub3A_137 : i32 to vector<16xi32>
      %sub3A_139 = arith.subi %sub3A_138, %min3A_136 : vector<16xi32>
      %sub3A_140 = arith.constant 4 : i32
      %sub3A_141 = vector.broadcast %sub3A_140 : i32 to vector<16xi32>
      %sub3A_142 = arith.subi %iota3A, %sub3A_141 : vector<16xi32>
      %max3A_143 = arith.constant 0 : i32
      %max3A_144 = vector.broadcast %max3A_143 : i32 to vector<16xi32>
      %max3A_145 = arith.maxsi %sub3A_142, %max3A_144 : vector<16xi32>
      %min3A_146 = arith.constant 1 : i32
      %min3A_147 = vector.broadcast %min3A_146 : i32 to vector<16xi32>
      %min3A_148 = arith.minsi %max3A_145, %min3A_147 : vector<16xi32>
      %mul3A_149 = arith.muli %sub3A_139, %min3A_148 : vector<16xi32>
      %add3A_150 = arith.addi %add3A_122, %mul3A_149 : vector<16xi32>
      %sub3A_151 = arith.constant 6 : i32
      %sub3A_152 = vector.broadcast %sub3A_151 : i32 to vector<16xi32>
      %sub3A_153 = arith.subi %iota3A, %sub3A_152 : vector<16xi32>
      %and3A_154 = arith.constant 15 : i32
      %and3A_155 = vector.broadcast %and3A_154 : i32 to vector<16xi32>
      %and3A_156 = arith.andi %sub3A_153, %and3A_155 : vector<16xi32>
      %broadcast_in_dim3A_157 = vector.shape_cast %and3A_156 : vector<16xi32> to vector<16x1xi32>
      %gather3A_158 = vector.shape_cast %broadcast_in_dim3A_157 : vector<16x1xi32> to vector<16xi32>
      %gather3A_159 = tpu.dynamic_gather %get3A_16[%gather3A_158] in [0] : vector<16xi32>, vector<16xi32> -> vector<16xi32>
      %sub3A_160 = arith.subi %get3A_16, %gather3A_159 : vector<16xi32>
      %abs3A_161 = math.absi %sub3A_160 : vector<16xi32>
      %min3A_162 = arith.constant 1 : i32
      %min3A_163 = vector.broadcast %min3A_162 : i32 to vector<16xi32>
      %min3A_164 = arith.minsi %abs3A_161, %min3A_163 : vector<16xi32>
      %sub3A_165 = arith.constant 1 : i32
      %sub3A_166 = vector.broadcast %sub3A_165 : i32 to vector<16xi32>
      %sub3A_167 = arith.subi %sub3A_166, %min3A_164 : vector<16xi32>
      %sub3A_168 = arith.constant 5 : i32
      %sub3A_169 = vector.broadcast %sub3A_168 : i32 to vector<16xi32>
      %sub3A_170 = arith.subi %iota3A, %sub3A_169 : vector<16xi32>
      %max3A_171 = arith.constant 0 : i32
      %max3A_172 = vector.broadcast %max3A_171 : i32 to vector<16xi32>
      %max3A_173 = arith.maxsi %sub3A_170, %max3A_172 : vector<16xi32>
      %min3A_174 = arith.constant 1 : i32
      %min3A_175 = vector.broadcast %min3A_174 : i32 to vector<16xi32>
      %min3A_176 = arith.minsi %max3A_173, %min3A_175 : vector<16xi32>
      %mul3A_177 = arith.muli %sub3A_167, %min3A_176 : vector<16xi32>
      %add3A_178 = arith.addi %add3A_150, %mul3A_177 : vector<16xi32>
      %sub3A_179 = arith.constant 7 : i32
      %sub3A_180 = vector.broadcast %sub3A_179 : i32 to vector<16xi32>
      %sub3A_181 = arith.subi %iota3A, %sub3A_180 : vector<16xi32>
      %and3A_182 = arith.constant 15 : i32
      %and3A_183 = vector.broadcast %and3A_182 : i32 to vector<16xi32>
      %and3A_184 = arith.andi %sub3A_181, %and3A_183 : vector<16xi32>
      %broadcast_in_dim3A_185 = vector.shape_cast %and3A_184 : vector<16xi32> to vector<16x1xi32>
      %gather3A_186 = vector.shape_cast %broadcast_in_dim3A_185 : vector<16x1xi32> to vector<16xi32>
      %gather3A_187 = tpu.dynamic_gather %get3A_16[%gather3A_186] in [0] : vector<16xi32>, vector<16xi32> -> vector<16xi32>
      %sub3A_188 = arith.subi %get3A_16, %gather3A_187 : vector<16xi32>
      %abs3A_189 = math.absi %sub3A_188 : vector<16xi32>
      %min3A_190 = arith.constant 1 : i32
      %min3A_191 = vector.broadcast %min3A_190 : i32 to vector<16xi32>
      %min3A_192 = arith.minsi %abs3A_189, %min3A_191 : vector<16xi32>
      %sub3A_193 = arith.constant 1 : i32
      %sub3A_194 = vector.broadcast %sub3A_193 : i32 to vector<16xi32>
      %sub3A_195 = arith.subi %sub3A_194, %min3A_192 : vector<16xi32>
      %sub3A_196 = arith.constant 6 : i32
      %sub3A_197 = vector.broadcast %sub3A_196 : i32 to vector<16xi32>
      %sub3A_198 = arith.subi %iota3A, %sub3A_197 : vector<16xi32>
      %max3A_199 = arith.constant 0 : i32
      %max3A_200 = vector.broadcast %max3A_199 : i32 to vector<16xi32>
      %max3A_201 = arith.maxsi %sub3A_198, %max3A_200 : vector<16xi32>
      %min3A_202 = arith.constant 1 : i32
      %min3A_203 = vector.broadcast %min3A_202 : i32 to vector<16xi32>
      %min3A_204 = arith.minsi %max3A_201, %min3A_203 : vector<16xi32>
      %mul3A_205 = arith.muli %sub3A_195, %min3A_204 : vector<16xi32>
      %add3A_206 = arith.addi %add3A_178, %mul3A_205 : vector<16xi32>
      %sub3A_207 = arith.constant 8 : i32
      %sub3A_208 = vector.broadcast %sub3A_207 : i32 to vector<16xi32>
      %sub3A_209 = arith.subi %iota3A, %sub3A_208 : vector<16xi32>
      %and3A_210 = arith.constant 15 : i32
      %and3A_211 = vector.broadcast %and3A_210 : i32 to vector<16xi32>
      %and3A_212 = arith.andi %sub3A_209, %and3A_211 : vector<16xi32>
      %broadcast_in_dim3A_213 = vector.shape_cast %and3A_212 : vector<16xi32> to vector<16x1xi32>
      %gather3A_214 = vector.shape_cast %broadcast_in_dim3A_213 : vector<16x1xi32> to vector<16xi32>
      %gather3A_215 = tpu.dynamic_gather %get3A_16[%gather3A_214] in [0] : vector<16xi32>, vector<16xi32> -> vector<16xi32>
      %sub3A_216 = arith.subi %get3A_16, %gather3A_215 : vector<16xi32>
      %abs3A_217 = math.absi %sub3A_216 : vector<16xi32>
      %min3A_218 = arith.constant 1 : i32
      %min3A_219 = vector.broadcast %min3A_218 : i32 to vector<16xi32>
      %min3A_220 = arith.minsi %abs3A_217, %min3A_219 : vector<16xi32>
      %sub3A_221 = arith.constant 1 : i32
      %sub3A_222 = vector.broadcast %sub3A_221 : i32 to vector<16xi32>
      %sub3A_223 = arith.subi %sub3A_222, %min3A_220 : vector<16xi32>
      %sub3A_224 = arith.constant 7 : i32
      %sub3A_225 = vector.broadcast %sub3A_224 : i32 to vector<16xi32>
      %sub3A_226 = arith.subi %iota3A, %sub3A_225 : vector<16xi32>
      %max3A_227 = arith.constant 0 : i32
      %max3A_228 = vector.broadcast %max3A_227 : i32 to vector<16xi32>
      %max3A_229 = arith.maxsi %sub3A_226, %max3A_228 : vector<16xi32>
      %min3A_230 = arith.constant 1 : i32
      %min3A_231 = vector.broadcast %min3A_230 : i32 to vector<16xi32>
      %min3A_232 = arith.minsi %max3A_229, %min3A_231 : vector<16xi32>
      %mul3A_233 = arith.muli %sub3A_223, %min3A_232 : vector<16xi32>
      %add3A_234 = arith.addi %add3A_206, %mul3A_233 : vector<16xi32>
      %sub3A_235 = arith.constant 9 : i32
      %sub3A_236 = vector.broadcast %sub3A_235 : i32 to vector<16xi32>
      %sub3A_237 = arith.subi %iota3A, %sub3A_236 : vector<16xi32>
      %and3A_238 = arith.constant 15 : i32
      %and3A_239 = vector.broadcast %and3A_238 : i32 to vector<16xi32>
      %and3A_240 = arith.andi %sub3A_237, %and3A_239 : vector<16xi32>
      %broadcast_in_dim3A_241 = vector.shape_cast %and3A_240 : vector<16xi32> to vector<16x1xi32>
      %gather3A_242 = vector.shape_cast %broadcast_in_dim3A_241 : vector<16x1xi32> to vector<16xi32>
      %gather3A_243 = tpu.dynamic_gather %get3A_16[%gather3A_242] in [0] : vector<16xi32>, vector<16xi32> -> vector<16xi32>
      %sub3A_244 = arith.subi %get3A_16, %gather3A_243 : vector<16xi32>
      %abs3A_245 = math.absi %sub3A_244 : vector<16xi32>
      %min3A_246 = arith.constant 1 : i32
      %min3A_247 = vector.broadcast %min3A_246 : i32 to vector<16xi32>
      %min3A_248 = arith.minsi %abs3A_245, %min3A_247 : vector<16xi32>
      %sub3A_249 = arith.constant 1 : i32
      %sub3A_250 = vector.broadcast %sub3A_249 : i32 to vector<16xi32>
      %sub3A_251 = arith.subi %sub3A_250, %min3A_248 : vector<16xi32>
      %sub3A_252 = arith.constant 8 : i32
      %sub3A_253 = vector.broadcast %sub3A_252 : i32 to vector<16xi32>
      %sub3A_254 = arith.subi %iota3A, %sub3A_253 : vector<16xi32>
      %max3A_255 = arith.constant 0 : i32
      %max3A_256 = vector.broadcast %max3A_255 : i32 to vector<16xi32>
      %max3A_257 = arith.maxsi %sub3A_254, %max3A_256 : vector<16xi32>
      %min3A_258 = arith.constant 1 : i32
      %min3A_259 = vector.broadcast %min3A_258 : i32 to vector<16xi32>
      %min3A_260 = arith.minsi %max3A_257, %min3A_259 : vector<16xi32>
      %mul3A_261 = arith.muli %sub3A_251, %min3A_260 : vector<16xi32>
      %add3A_262 = arith.addi %add3A_234, %mul3A_261 : vector<16xi32>
      %sub3A_263 = arith.constant 10 : i32
      %sub3A_264 = vector.broadcast %sub3A_263 : i32 to vector<16xi32>
      %sub3A_265 = arith.subi %iota3A, %sub3A_264 : vector<16xi32>
      %and3A_266 = arith.constant 15 : i32
      %and3A_267 = vector.broadcast %and3A_266 : i32 to vector<16xi32>
      %and3A_268 = arith.andi %sub3A_265, %and3A_267 : vector<16xi32>
      %broadcast_in_dim3A_269 = vector.shape_cast %and3A_268 : vector<16xi32> to vector<16x1xi32>
      %gather3A_270 = vector.shape_cast %broadcast_in_dim3A_269 : vector<16x1xi32> to vector<16xi32>
      %gather3A_271 = tpu.dynamic_gather %get3A_16[%gather3A_270] in [0] : vector<16xi32>, vector<16xi32> -> vector<16xi32>
      %sub3A_272 = arith.subi %get3A_16, %gather3A_271 : vector<16xi32>
      %abs3A_273 = math.absi %sub3A_272 : vector<16xi32>
      %min3A_274 = arith.constant 1 : i32
      %min3A_275 = vector.broadcast %min3A_274 : i32 to vector<16xi32>
      %min3A_276 = arith.minsi %abs3A_273, %min3A_275 : vector<16xi32>
      %sub3A_277 = arith.constant 1 : i32
      %sub3A_278 = vector.broadcast %sub3A_277 : i32 to vector<16xi32>
      %sub3A_279 = arith.subi %sub3A_278, %min3A_276 : vector<16xi32>
      %sub3A_280 = arith.constant 9 : i32
      %sub3A_281 = vector.broadcast %sub3A_280 : i32 to vector<16xi32>
      %sub3A_282 = arith.subi %iota3A, %sub3A_281 : vector<16xi32>
      %max3A_283 = arith.constant 0 : i32
      %max3A_284 = vector.broadcast %max3A_283 : i32 to vector<16xi32>
      %max3A_285 = arith.maxsi %sub3A_282, %max3A_284 : vector<16xi32>
      %min3A_286 = arith.constant 1 : i32
      %min3A_287 = vector.broadcast %min3A_286 : i32 to vector<16xi32>
      %min3A_288 = arith.minsi %max3A_285, %min3A_287 : vector<16xi32>
      %mul3A_289 = arith.muli %sub3A_279, %min3A_288 : vector<16xi32>
      %add3A_290 = arith.addi %add3A_262, %mul3A_289 : vector<16xi32>
      %sub3A_291 = arith.constant 11 : i32
      %sub3A_292 = vector.broadcast %sub3A_291 : i32 to vector<16xi32>
      %sub3A_293 = arith.subi %iota3A, %sub3A_292 : vector<16xi32>
      %and3A_294 = arith.constant 15 : i32
      %and3A_295 = vector.broadcast %and3A_294 : i32 to vector<16xi32>
      %and3A_296 = arith.andi %sub3A_293, %and3A_295 : vector<16xi32>
      %broadcast_in_dim3A_297 = vector.shape_cast %and3A_296 : vector<16xi32> to vector<16x1xi32>
      %gather3A_298 = vector.shape_cast %broadcast_in_dim3A_297 : vector<16x1xi32> to vector<16xi32>
      %gather3A_299 = tpu.dynamic_gather %get3A_16[%gather3A_298] in [0] : vector<16xi32>, vector<16xi32> -> vector<16xi32>
      %sub3A_300 = arith.subi %get3A_16, %gather3A_299 : vector<16xi32>
      %abs3A_301 = math.absi %sub3A_300 : vector<16xi32>
      %min3A_302 = arith.constant 1 : i32
      %min3A_303 = vector.broadcast %min3A_302 : i32 to vector<16xi32>
      %min3A_304 = arith.minsi %abs3A_301, %min3A_303 : vector<16xi32>
      %sub3A_305 = arith.constant 1 : i32
      %sub3A_306 = vector.broadcast %sub3A_305 : i32 to vector<16xi32>
      %sub3A_307 = arith.subi %sub3A_306, %min3A_304 : vector<16xi32>
      %sub3A_308 = arith.constant 10 : i32
      %sub3A_309 = vector.broadcast %sub3A_308 : i32 to vector<16xi32>
      %sub3A_310 = arith.subi %iota3A, %sub3A_309 : vector<16xi32>
      %max3A_311 = arith.constant 0 : i32
      %max3A_312 = vector.broadcast %max3A_311 : i32 to vector<16xi32>
      %max3A_313 = arith.maxsi %sub3A_310, %max3A_312 : vector<16xi32>
      %min3A_314 = arith.constant 1 : i32
      %min3A_315 = vector.broadcast %min3A_314 : i32 to vector<16xi32>
      %min3A_316 = arith.minsi %max3A_313, %min3A_315 : vector<16xi32>
      %mul3A_317 = arith.muli %sub3A_307, %min3A_316 : vector<16xi32>
      %add3A_318 = arith.addi %add3A_290, %mul3A_317 : vector<16xi32>
      %sub3A_319 = arith.constant 12 : i32
      %sub3A_320 = vector.broadcast %sub3A_319 : i32 to vector<16xi32>
      %sub3A_321 = arith.subi %iota3A, %sub3A_320 : vector<16xi32>
      %and3A_322 = arith.constant 15 : i32
      %and3A_323 = vector.broadcast %and3A_322 : i32 to vector<16xi32>
      %and3A_324 = arith.andi %sub3A_321, %and3A_323 : vector<16xi32>
      %broadcast_in_dim3A_325 = vector.shape_cast %and3A_324 : vector<16xi32> to vector<16x1xi32>
      %gather3A_326 = vector.shape_cast %broadcast_in_dim3A_325 : vector<16x1xi32> to vector<16xi32>
      %gather3A_327 = tpu.dynamic_gather %get3A_16[%gather3A_326] in [0] : vector<16xi32>, vector<16xi32> -> vector<16xi32>
      %sub3A_328 = arith.subi %get3A_16, %gather3A_327 : vector<16xi32>
      %abs3A_329 = math.absi %sub3A_328 : vector<16xi32>
      %min3A_330 = arith.constant 1 : i32
      %min3A_331 = vector.broadcast %min3A_330 : i32 to vector<16xi32>
      %min3A_332 = arith.minsi %abs3A_329, %min3A_331 : vector<16xi32>
      %sub3A_333 = arith.constant 1 : i32
      %sub3A_334 = vector.broadcast %sub3A_333 : i32 to vector<16xi32>
      %sub3A_335 = arith.subi %sub3A_334, %min3A_332 : vector<16xi32>
      %sub3A_336 = arith.constant 11 : i32
      %sub3A_337 = vector.broadcast %sub3A_336 : i32 to vector<16xi32>
      %sub3A_338 = arith.subi %iota3A, %sub3A_337 : vector<16xi32>
      %max3A_339 = arith.constant 0 : i32
      %max3A_340 = vector.broadcast %max3A_339 : i32 to vector<16xi32>
      %max3A_341 = arith.maxsi %sub3A_338, %max3A_340 : vector<16xi32>
      %min3A_342 = arith.constant 1 : i32
      %min3A_343 = vector.broadcast %min3A_342 : i32 to vector<16xi32>
      %min3A_344 = arith.minsi %max3A_341, %min3A_343 : vector<16xi32>
      %mul3A_345 = arith.muli %sub3A_335, %min3A_344 : vector<16xi32>
      %add3A_346 = arith.addi %add3A_318, %mul3A_345 : vector<16xi32>
      %sub3A_347 = arith.constant 13 : i32
      %sub3A_348 = vector.broadcast %sub3A_347 : i32 to vector<16xi32>
      %sub3A_349 = arith.subi %iota3A, %sub3A_348 : vector<16xi32>
      %and3A_350 = arith.constant 15 : i32
      %and3A_351 = vector.broadcast %and3A_350 : i32 to vector<16xi32>
      %and3A_352 = arith.andi %sub3A_349, %and3A_351 : vector<16xi32>
      %broadcast_in_dim3A_353 = vector.shape_cast %and3A_352 : vector<16xi32> to vector<16x1xi32>
      %gather3A_354 = vector.shape_cast %broadcast_in_dim3A_353 : vector<16x1xi32> to vector<16xi32>
      %gather3A_355 = tpu.dynamic_gather %get3A_16[%gather3A_354] in [0] : vector<16xi32>, vector<16xi32> -> vector<16xi32>
      %sub3A_356 = arith.subi %get3A_16, %gather3A_355 : vector<16xi32>
      %abs3A_357 = math.absi %sub3A_356 : vector<16xi32>
      %min3A_358 = arith.constant 1 : i32
      %min3A_359 = vector.broadcast %min3A_358 : i32 to vector<16xi32>
      %min3A_360 = arith.minsi %abs3A_357, %min3A_359 : vector<16xi32>
      %sub3A_361 = arith.constant 1 : i32
      %sub3A_362 = vector.broadcast %sub3A_361 : i32 to vector<16xi32>
      %sub3A_363 = arith.subi %sub3A_362, %min3A_360 : vector<16xi32>
      %sub3A_364 = arith.constant 12 : i32
      %sub3A_365 = vector.broadcast %sub3A_364 : i32 to vector<16xi32>
      %sub3A_366 = arith.subi %iota3A, %sub3A_365 : vector<16xi32>
      %max3A_367 = arith.constant 0 : i32
      %max3A_368 = vector.broadcast %max3A_367 : i32 to vector<16xi32>
      %max3A_369 = arith.maxsi %sub3A_366, %max3A_368 : vector<16xi32>
      %min3A_370 = arith.constant 1 : i32
      %min3A_371 = vector.broadcast %min3A_370 : i32 to vector<16xi32>
      %min3A_372 = arith.minsi %max3A_369, %min3A_371 : vector<16xi32>
      %mul3A_373 = arith.muli %sub3A_363, %min3A_372 : vector<16xi32>
      %add3A_374 = arith.addi %add3A_346, %mul3A_373 : vector<16xi32>
      %sub3A_375 = arith.constant 14 : i32
      %sub3A_376 = vector.broadcast %sub3A_375 : i32 to vector<16xi32>
      %sub3A_377 = arith.subi %iota3A, %sub3A_376 : vector<16xi32>
      %and3A_378 = arith.constant 15 : i32
      %and3A_379 = vector.broadcast %and3A_378 : i32 to vector<16xi32>
      %and3A_380 = arith.andi %sub3A_377, %and3A_379 : vector<16xi32>
      %broadcast_in_dim3A_381 = vector.shape_cast %and3A_380 : vector<16xi32> to vector<16x1xi32>
      %gather3A_382 = vector.shape_cast %broadcast_in_dim3A_381 : vector<16x1xi32> to vector<16xi32>
      %gather3A_383 = tpu.dynamic_gather %get3A_16[%gather3A_382] in [0] : vector<16xi32>, vector<16xi32> -> vector<16xi32>
      %sub3A_384 = arith.subi %get3A_16, %gather3A_383 : vector<16xi32>
      %abs3A_385 = math.absi %sub3A_384 : vector<16xi32>
      %min3A_386 = arith.constant 1 : i32
      %min3A_387 = vector.broadcast %min3A_386 : i32 to vector<16xi32>
      %min3A_388 = arith.minsi %abs3A_385, %min3A_387 : vector<16xi32>
      %sub3A_389 = arith.constant 1 : i32
      %sub3A_390 = vector.broadcast %sub3A_389 : i32 to vector<16xi32>
      %sub3A_391 = arith.subi %sub3A_390, %min3A_388 : vector<16xi32>
      %sub3A_392 = arith.constant 13 : i32
      %sub3A_393 = vector.broadcast %sub3A_392 : i32 to vector<16xi32>
      %sub3A_394 = arith.subi %iota3A, %sub3A_393 : vector<16xi32>
      %max3A_395 = arith.constant 0 : i32
      %max3A_396 = vector.broadcast %max3A_395 : i32 to vector<16xi32>
      %max3A_397 = arith.maxsi %sub3A_394, %max3A_396 : vector<16xi32>
      %min3A_398 = arith.constant 1 : i32
      %min3A_399 = vector.broadcast %min3A_398 : i32 to vector<16xi32>
      %min3A_400 = arith.minsi %max3A_397, %min3A_399 : vector<16xi32>
      %mul3A_401 = arith.muli %sub3A_391, %min3A_400 : vector<16xi32>
      %add3A_402 = arith.addi %add3A_374, %mul3A_401 : vector<16xi32>
      %sub3A_403 = arith.constant 15 : i32
      %sub3A_404 = vector.broadcast %sub3A_403 : i32 to vector<16xi32>
      %sub3A_405 = arith.subi %iota3A, %sub3A_404 : vector<16xi32>
      %and3A_406 = arith.constant 15 : i32
      %and3A_407 = vector.broadcast %and3A_406 : i32 to vector<16xi32>
      %and3A_408 = arith.andi %sub3A_405, %and3A_407 : vector<16xi32>
      %broadcast_in_dim3A_409 = vector.shape_cast %and3A_408 : vector<16xi32> to vector<16x1xi32>
      %gather3A_410 = vector.shape_cast %broadcast_in_dim3A_409 : vector<16x1xi32> to vector<16xi32>
      %gather3A_411 = tpu.dynamic_gather %get3A_16[%gather3A_410] in [0] : vector<16xi32>, vector<16xi32> -> vector<16xi32>
      %sub3A_412 = arith.subi %get3A_16, %gather3A_411 : vector<16xi32>
      %abs3A_413 = math.absi %sub3A_412 : vector<16xi32>
      %min3A_414 = arith.constant 1 : i32
      %min3A_415 = vector.broadcast %min3A_414 : i32 to vector<16xi32>
      %min3A_416 = arith.minsi %abs3A_413, %min3A_415 : vector<16xi32>
      %sub3A_417 = arith.constant 1 : i32
      %sub3A_418 = vector.broadcast %sub3A_417 : i32 to vector<16xi32>
      %sub3A_419 = arith.subi %sub3A_418, %min3A_416 : vector<16xi32>
      %sub3A_420 = arith.constant 14 : i32
      %sub3A_421 = vector.broadcast %sub3A_420 : i32 to vector<16xi32>
      %sub3A_422 = arith.subi %iota3A, %sub3A_421 : vector<16xi32>
      %max3A_423 = arith.constant 0 : i32
      %max3A_424 = vector.broadcast %max3A_423 : i32 to vector<16xi32>
      %max3A_425 = arith.maxsi %sub3A_422, %max3A_424 : vector<16xi32>
      %min3A_426 = arith.constant 1 : i32
      %min3A_427 = vector.broadcast %min3A_426 : i32 to vector<16xi32>
      %min3A_428 = arith.minsi %max3A_425, %min3A_427 : vector<16xi32>
      %mul3A_429 = arith.muli %sub3A_419, %min3A_428 : vector<16xi32>
      %add3A_430 = arith.addi %add3A_402, %mul3A_429 : vector<16xi32>
      %broadcast_in_dim3A_431 = vector.shape_cast %get3A_16 : vector<16xi32> to vector<16x1xi32>
      %gather3A_432 = vector.shape_cast %broadcast_in_dim3A_431 : vector<16x1xi32> to vector<16xi32>
      %gather3A_433 = tpu.dynamic_gather %get3A_20[%gather3A_432] in [0] : vector<16xi32>, vector<16xi32> -> vector<16xi32>
      %add3A_434 = arith.addi %gather3A_433, %add3A_430 : vector<16xi32>
      %sub3A_435 = arith.constant 255 : i32
      %sub3A_436 = vector.broadcast %sub3A_435 : i32 to vector<16xi32>
      %sub3A_437 = arith.subi %add3A_434, %sub3A_436 : vector<16xi32>
      %max3A_438 = arith.constant 0 : i32
      %max3A_439 = vector.broadcast %max3A_438 : i32 to vector<16xi32>
      %max3A_440 = arith.maxsi %sub3A_437, %max3A_439 : vector<16xi32>
      %min3A_441 = arith.constant 1 : i32
      %min3A_442 = vector.broadcast %min3A_441 : i32 to vector<16xi32>
      %min3A_443 = arith.minsi %max3A_440, %min3A_442 : vector<16xi32>
      %sub3A_444 = arith.constant 1 : i32
      %sub3A_445 = vector.broadcast %sub3A_444 : i32 to vector<16xi32>
      %sub3A_446 = arith.subi %sub3A_445, %min3A_443 : vector<16xi32>
      %mul3A_447 = arith.constant 256 : i32
      %mul3A_448 = vector.broadcast %mul3A_447 : i32 to vector<16xi32>
      %mul3A_449 = arith.muli %get3A_16, %mul3A_448 : vector<16xi32>
      %add3A_450 = arith.addi %mul3A_449, %add3A_434 : vector<16xi32>
      %add3A_451 = arith.constant 1 : i32
      %add3A_452 = vector.broadcast %add3A_451 : i32 to vector<16xi32>
      %add3A_453 = arith.addi %add3A_450, %add3A_452 : vector<16xi32>
      %mul3A_454 = arith.muli %sub3A_446, %add3A_453 : vector<16xi32>
      %sub3A_455 = arith.constant 1 : i32
      %sub3A_456 = vector.broadcast %sub3A_455 : i32 to vector<16xi32>
      %sub3A_457 = arith.subi %mul3A_454, %sub3A_456 : vector<16xi32>
      %swap3A = arith.index_cast %multiple_of3A : i32 to index
      %swap3A_458 = tpu.vector_load %arg6[%swap3A] {strides = array<i32>} : memref<128xi32, #tpu.memory_space<vmem>>, vector<16xi32>,
      %swap3A_459 = vector.shape_cast %swap3A_458 : vector<16xi32> to vector<16xi32>
      %swap3A_460 = vector.shape_cast %sub3A_457 : vector<16xi32> to vector<16xi32>
      tpu.vector_store %arg6[%swap3A], %swap3A_460 {strides = array<i32>} : memref<128xi32, #tpu.memory_space<vmem>>, vector<16xi32>,
      %scan3A_461 = arith.constant 0 : i32
      scf.yield %scan3A_461 : i32
    }
    %scan3A_10 = arith.constant 8 : i32
    "tpu.region"() ({
      %run_scoped3A = tpu.sem_alloc : memref<!tpu.dma_semaphore, #tpu.memory_space<semaphore_mem>>
      %dma_start3A = tpu.memref_slice %arg4[%mul3A_2] : memref<4096xi32, #tpu.memory_space<hbm>> -> memref<128xi32, #tpu.memory_space<hbm>>
      %dma_start3A_11 = tpu.memref_slice %arg4[%mul3A_2] : memref<4096xi32, #tpu.memory_space<hbm>> -> memref<128xi32, #tpu.memory_space<hbm>>
      tpu.enqueue_dma source(%arg6 : memref<128xi32, #tpu.memory_space<vmem>>) target(%dma_start3A_11 : memref<128xi32, #tpu.memory_space<hbm>>) target_semaphore(%run_scoped3A : memref<!tpu.dma_semaphore, #tpu.memory_space<semaphore_mem>>)
      %dma_wait3A = tpu.memref_slice %arg4[%mul3A_2] : memref<4096xi32, #tpu.memory_space<hbm>> -> memref<128xi32, #tpu.memory_space<hbm>>
      %dma_wait3A_12 = tpu.memref_slice %arg4[%mul3A_2] : memref<4096xi32, #tpu.memory_space<hbm>> -> memref<128xi32, #tpu.memory_space<hbm>>
      tpu.wait_dma2 semaphore(%run_scoped3A : memref<!tpu.dma_semaphore, #tpu.memory_space<semaphore_mem>>) src(%arg6 : memref<128xi32, #tpu.memory_space<vmem>>) dst(%dma_wait3A_12 : memref<128xi32, #tpu.memory_space<hbm>>)
      tpu.yield
    }) : () -> ()
    return
  }
}

module attributes {stable_mosaic.version = 14 : i64} {
  func.func @_tc2_body(%arg0: i32, %arg1: memref<512x1xi32, #tpu.memory_space<vmem>>, %arg2: memref<512x1xf32, #tpu.memory_space<vmem>>, %arg3: memref<512x16x256xf32, #tpu.memory_space<vmem>>, %arg4: memref<512x16x256xi8, #tpu.memory_space<vmem>>) attributes {dimension_semantics = [#tpu.dimension_semantics<parallel>], iteration_bounds = array<i64: 8>, scalar_prefetch = 0 : i64, scratch_operands = 0 : i64, tpu.core_type = #tpu.core_type<tc>, window_params = [{transform_indices = @transform_0, window_bounds = array<i64: 512, 1>}, {transform_indices = @transform_1, window_bounds = array<i64: 512, 1>}, {transform_indices = @transform_2, window_bounds = array<i64: 512, 16, 256>}, {transform_indices = @transform_3, window_bounds = array<i64: 512, 16, 256>}]} {
    %iota3A = tpu.iota {dimensions = array<i32: 1>} : vector<512x16x256xi32>
    %mul3A = arith.constant 256 : i32
    %mul3A_0 = vector.broadcast %mul3A : i32 to vector<512x16x256xi32>
    %mul3A_1 = arith.muli %iota3A, %mul3A_0 : vector<512x16x256xi32>
    %iota3A_2 = tpu.iota {dimensions = array<i32: 2>} : vector<512x16x256xi32>
    %add3A = arith.addi %mul3A_1, %iota3A_2 : vector<512x16x256xi32>
    %get3A = arith.constant 0 : index
    %get3A_3 = arith.constant 0 : index
    %get3A_4 = vector.load %arg1[%get3A, %get3A_3] : memref<512x1xi32, #tpu.memory_space<vmem>>, vector<512x1xi32>
    %reshape3A = vector.shape_cast %get3A_4 : vector<512x1xi32> to vector<512x1x1xi32>
    %eq3A = vector.broadcast %reshape3A : vector<512x1x1xi32> to vector<512x16x256xi32>
    %eq3A_5 = arith.cmpi eq, %add3A, %eq3A : vector<512x16x256xi32>
    %get3A_6 = arith.constant 0 : index
    %get3A_7 = arith.constant 0 : index
    %get3A_8 = vector.load %arg2[%get3A_6, %get3A_7] : memref<512x1xf32, #tpu.memory_space<vmem>>, vector<512x1xf32>
    %reshape3A_9 = vector.shape_cast %get3A_8 : vector<512x1xf32> to vector<512x1x1xf32>
    %jit3A = arith.constant 0.000000e+00 : f32
    %broadcast_in_dim3A = vector.shape_cast %reshape3A_9 : vector<512x1x1xf32> to vector<512x1x1xf32>
    %broadcast_in_dim3A_10 = vector.broadcast %broadcast_in_dim3A : vector<512x1x1xf32> to vector<512x16x256xf32>
    %broadcast_in_dim3A_11 = vector.broadcast %jit3A : f32 to vector<512x16x256xf32>
    %select_n3A = arith.select %eq3A_5, %broadcast_in_dim3A_10, %broadcast_in_dim3A_11 : vector<512x16x256xi1>, vector<512x16x256xf32>
    %swap3A = arith.constant 0 : index
    %swap3A_12 = arith.constant 0 : index
    %swap3A_13 = arith.constant 0 : index
    %swap3A_14 = vector.load %arg3[%swap3A, %swap3A_12, %swap3A_13] : memref<512x16x256xf32, #tpu.memory_space<vmem>>, vector<512x16x256xf32>
    tpu.vector_store %arg3[%swap3A, %swap3A_12, %swap3A_13], %select_n3A {strides = array<i32>} : memref<512x16x256xf32, #tpu.memory_space<vmem>>, vector<512x16x256xf32>,
    %convert_element_type3A = arith.extui %eq3A_5 : vector<512x16x256xi1> to vector<512x16x256xi8>
    %swap3A_15 = arith.constant 0 : index
    %swap3A_16 = arith.constant 0 : index
    %swap3A_17 = arith.constant 0 : index
    %swap3A_18 = vector.load %arg4[%swap3A_15, %swap3A_16, %swap3A_17] : memref<512x16x256xi8, #tpu.memory_space<vmem>>, vector<512x16x256xi8>
    tpu.vector_store %arg4[%swap3A_15, %swap3A_16, %swap3A_17], %convert_element_type3A {strides = array<i32>} : memref<512x16x256xi8, #tpu.memory_space<vmem>>, vector<512x16x256xi8>,
    return
  }
  func.func @transform_0(%arg0: i32) -> (i32, i32) {
    %c0_i32 = arith.constant 0 : i32
    %c0_i32_0 = arith.constant 0 : i32
    return %arg0, %c0_i32 : i32, i32
  }
  func.func @transform_1(%arg0: i32) -> (i32, i32) {
    %c0_i32 = arith.constant 0 : i32
    %c0_i32_0 = arith.constant 0 : i32
    return %arg0, %c0_i32 : i32, i32
  }
  func.func @transform_2(%arg0: i32) -> (i32, i32, i32) {
    %c0_i32 = arith.constant 0 : i32
    %c0_i32_0 = arith.constant 0 : i32
    %c0_i32_1 = arith.constant 0 : i32
    return %arg0, %c0_i32, %c0_i32_0 : i32, i32, i32
  }
  func.func @transform_3(%arg0: i32) -> (i32, i32, i32) {
    %c0_i32 = arith.constant 0 : i32
    %c0_i32_0 = arith.constant 0 : i32
    %c0_i32_1 = arith.constant 0 : i32
    return %arg0, %c0_i32, %c0_i32_0 : i32, i32, i32
  }
}

module attributes {stable_mosaic.version = 14 : i64} {
  func.func @_tc1_body(%arg0: i32, %arg1: memref<1024x2048xf32, #tpu.memory_space<vmem>>, %arg2: memref<16x2048xf32, #tpu.memory_space<vmem>>, %arg3: memref<1024xi32, #tpu.memory_space<vmem>>, %arg4: memref<1024x1xf32, #tpu.memory_space<vmem>>, %arg5: memref<1x64x16xi32, #tpu.memory_space<vmem>>, %arg6: memref<1x16xi32, #tpu.memory_space<vmem>>, %arg7: memref<1x1xf32, #tpu.memory_space<vmem>>, %arg8: memref<1x16xf32, #tpu.memory_space<vmem>>, %arg9: memref<1x16xf32, #tpu.memory_space<vmem>>) attributes {dimension_semantics = [#tpu.dimension_semantics<arbitrary>], iteration_bounds = array<i64: 4>, scalar_prefetch = 0 : i64, scratch_operands = 2 : i64, tpu.core_type = #tpu.core_type<tc>, window_params = [{transform_indices = @transform_0, window_bounds = array<i64: 1024, 2048>}, {pipeline_mode = #tpu.pipeline_mode<synchronous>, transform_indices = @transform_1, window_bounds = array<i64: 16, 2048>}, {transform_indices = @transform_2, window_bounds = array<i64: 1024>}, {transform_indices = @transform_3, window_bounds = array<i64: 1024, 1>}, {transform_indices = @transform_4, window_bounds = array<i64: 1, 64, 16>}, {pipeline_mode = #tpu.pipeline_mode<synchronous>, transform_indices = @transform_5, window_bounds = array<i64: 1, 16>}, {pipeline_mode = #tpu.pipeline_mode<synchronous>, transform_indices = @transform_6, window_bounds = array<i64: 1, 1>}]} {
    %get3A = arith.constant 0 : index
    %get3A_0 = arith.constant 0 : index
    %get3A_1 = vector.load %arg2[%get3A, %get3A_0] : memref<16x2048xf32, #tpu.memory_space<vmem>>, vector<16x2048xf32>
    %get3A_2 = arith.constant 0 : index
    %get3A_3 = arith.constant 0 : index
    %get3A_4 = vector.load %arg1[%get3A_2, %get3A_3] : memref<1024x2048xf32, #tpu.memory_space<vmem>>, vector<1024x2048xf32>
    %dot_general3A = arith.constant dense<0.000000e+00> : vector<16x1024xf32>
    %dot_general3A_5 = tpu.matmul %get3A_1, %get3A_4, %dot_general3A {dimension_numbers = #tpu.dot_dimension_numbers<[1], [1], [0], [0], [0, 0, 1, 0], [], []>, transpose_lhs_hint = false} : vector<16x2048xf32>, vector<1024x2048xf32>, vector<16x1024xf32> -> vector<16x1024xf32>
    %reduce_max3A = arith.constant dense<0xFF800000> : vector<1024xf32>
    %reduce_max3A_6 = vector.multi_reduction <maximumf>, %dot_general3A_5, %reduce_max3A [0] : vector<16x1024xf32> to vector<1024xf32>
    %broadcast_in_dim3A = vector.shape_cast %reduce_max3A_6 : vector<1024xf32> to vector<1x1024xf32>
    %sub3A = vector.broadcast %broadcast_in_dim3A : vector<1x1024xf32> to vector<16x1024xf32>
    %sub3A_7 = arith.subf %dot_general3A_5, %sub3A : vector<16x1024xf32>
    %exp3A = math.exp %sub3A_7 : vector<16x1024xf32>
    %reduce_sum3A = arith.constant dense<0.000000e+00> : vector<1024xf32>
    %reduce_sum3A_8 = vector.multi_reduction <add>, %exp3A, %reduce_sum3A [0] : vector<16x1024xf32> to vector<1024xf32>
    %broadcast_in_dim3A_9 = vector.shape_cast %reduce_sum3A_8 : vector<1024xf32> to vector<1x1024xf32>
    %div3A = arith.constant 1.000000e+00 : f32
    %div3A_10 = vector.broadcast %div3A : f32 to vector<1x1024xf32>
    %div3A_11 = arith.divf %div3A_10, %broadcast_in_dim3A_9 : vector<1x1024xf32>
    %iota3A = tpu.iota {dimensions = array<i32: 0>} : vector<16x1024xi32>
    %eq3A = vector.broadcast %broadcast_in_dim3A : vector<1x1024xf32> to vector<16x1024xf32>
    %eq3A_12 = arith.cmpf oeq, %dot_general3A_5, %eq3A : vector<16x1024xf32>
    %jit3A = arith.constant 16 : i32
    %broadcast_in_dim3A_13 = vector.broadcast %jit3A : i32 to vector<16x1024xi32>
    %select_n3A = arith.select %eq3A_12, %iota3A, %broadcast_in_dim3A_13 : vector<16x1024xi1>, vector<16x1024xi32>
    %reduce_min3A = arith.constant dense<2147483647> : vector<1024xi32>
    %reduce_min3A_14 = vector.multi_reduction <minsi>, %select_n3A, %reduce_min3A [0] : vector<16x1024xi32> to vector<1024xi32>
    %broadcast_in_dim3A_15 = vector.shape_cast %reduce_min3A_14 : vector<1024xi32> to vector<1x1024xi32>
    %eq3A_16 = vector.broadcast %broadcast_in_dim3A_15 : vector<1x1024xi32> to vector<16x1024xi32>
    %eq3A_17 = arith.cmpi eq, %iota3A, %eq3A_16 : vector<16x1024xi32>
    %convert_element_type3A = arith.extui %eq3A_17 : vector<16x1024xi1> to vector<16x1024xi32>
    %convert_element_type3A_18 = arith.sitofp %convert_element_type3A : vector<16x1024xi32> to vector<16x1024xf32>
    %reshape3A = vector.shape_cast %broadcast_in_dim3A_15 : vector<1x1024xi32> to vector<1024xi32>
    %swap3A = arith.constant 0 : index
    %swap3A_19 = vector.load %arg3[%swap3A] : memref<1024xi32, #tpu.memory_space<vmem>>, vector<1024xi32>
    tpu.vector_store %arg3[%swap3A], %reshape3A {strides = array<i32>} : memref<1024xi32, #tpu.memory_space<vmem>>, vector<1024xi32>,
    %broadcast_in_dim3A_20 = arith.constant 1.000000e+00 : f32
    %broadcast_in_dim3A_21 = vector.broadcast %broadcast_in_dim3A_20 : f32 to vector<16x1xf32>
    %dot_general3A_22 = arith.constant dense<0.000000e+00> : vector<1024x1xf32>
    %dot_general3A_23 = tpu.matmul %exp3A, %broadcast_in_dim3A_21, %dot_general3A_22 {dimension_numbers = #tpu.dot_dimension_numbers<[0], [0], [1], [1], [0, 1, 1, 1], [], []>, transpose_lhs_hint = false} : vector<16x1024xf32>, vector<16x1xf32>, vector<1024x1xf32> -> vector<1024x1xf32>
    %div3A_24 = arith.constant 1.000000e+00 : f32
    %div3A_25 = vector.broadcast %div3A_24 : f32 to vector<1024x1xf32>
    %div3A_26 = arith.divf %div3A_25, %dot_general3A_23 : vector<1024x1xf32>
    %swap3A_27 = arith.constant 0 : index
    %swap3A_28 = arith.constant 0 : index
    %swap3A_29 = vector.load %arg4[%swap3A_27, %swap3A_28] : memref<1024x1xf32, #tpu.memory_space<vmem>>, vector<1024x1xf32>
    tpu.vector_store %arg4[%swap3A_27, %swap3A_28], %div3A_26 {strides = array<i32>} : memref<1024x1xf32, #tpu.memory_space<vmem>>, vector<1024x1xf32>,
    %eq3A_30 = arith.constant 0 : i32
    %eq3A_31 = arith.cmpi eq, %arg0, %eq3A_30 : i32
    %convert_element_type3A_32 = arith.extui %eq3A_31 : i1 to i32
    %cond3A = arith.constant 0 : i32
    %cond3A_33 = arith.cmpi ne, %convert_element_type3A_32, %cond3A : i32
    scf.if %cond3A_33 {
      %broadcast_in_dim3A_77 = arith.constant 0.000000e+00 : f32
      %broadcast_in_dim3A_78 = vector.broadcast %broadcast_in_dim3A_77 : f32 to vector<1x16xf32>
      %swap3A_79 = arith.constant 0 : index
      %swap3A_80 = arith.constant 0 : index
      %swap3A_81 = vector.load %arg9[%swap3A_79, %swap3A_80] : memref<1x16xf32, #tpu.memory_space<vmem>>, vector<1x16xf32>
      tpu.vector_store %arg9[%swap3A_79, %swap3A_80], %broadcast_in_dim3A_78 {strides = array<i32>} : memref<1x16xf32, #tpu.memory_space<vmem>>, vector<1x16xf32>,
      %broadcast_in_dim3A_82 = arith.constant 0.000000e+00 : f32
      %broadcast_in_dim3A_83 = vector.broadcast %broadcast_in_dim3A_82 : f32 to vector<1x16xf32>
      %swap3A_84 = arith.constant 0 : index
      %swap3A_85 = arith.constant 0 : index
      %swap3A_86 = vector.load %arg8[%swap3A_84, %swap3A_85] : memref<1x16xf32, #tpu.memory_space<vmem>>, vector<1x16xf32>
      tpu.vector_store %arg8[%swap3A_84, %swap3A_85], %broadcast_in_dim3A_83 {strides = array<i32>} : memref<1x16xf32, #tpu.memory_space<vmem>>, vector<1x16xf32>,
    } else {
    }
    %iota3A_34 = tpu.iota {dimensions = array<i32: 1>} : vector<64x1024xi32>
    %iota3A_35 = tpu.iota {dimensions = array<i32: 0>} : vector<64x1024xi32>
    %mul3A = arith.constant 16 : i32
    %mul3A_36 = vector.broadcast %mul3A : i32 to vector<64x1024xi32>
    %mul3A_37 = arith.muli %iota3A_35, %mul3A_36 : vector<64x1024xi32>
    %lt3A = arith.cmpi slt, %iota3A_34, %mul3A_37 : vector<64x1024xi32>
    %convert_element_type3A_38 = arith.extui %lt3A : vector<64x1024xi1> to vector<64x1024xi32>
    %convert_element_type3A_39 = arith.sitofp %convert_element_type3A_38 : vector<64x1024xi32> to vector<64x1024xf32>
    %dot_general3A_40 = arith.constant dense<0.000000e+00> : vector<64x16xf32>
    %dot_general3A_41 = tpu.matmul %convert_element_type3A_39, %convert_element_type3A_18, %dot_general3A_40 {dimension_numbers = #tpu.dot_dimension_numbers<[1], [1], [0], [0], [0, 0, 1, 0], [], []>, transpose_lhs_hint = false} : vector<64x1024xf32>, vector<16x1024xf32>, vector<64x16xf32> -> vector<64x16xf32>
    %get3A_42 = arith.constant 0 : index
    %get3A_43 = arith.constant 0 : index
    %get3A_44 = vector.load %arg9[%get3A_42, %get3A_43] : memref<1x16xf32, #tpu.memory_space<vmem>>, vector<1x16xf32>
    %add3A = vector.broadcast %get3A_44 : vector<1x16xf32> to vector<64x16xf32>
    %add3A_45 = arith.addf %add3A, %dot_general3A_41 : vector<64x16xf32>
    %convert_element_type3A_46 = arith.fptosi %add3A_45 : vector<64x16xf32> to vector<64x16xi32>
    %reshape3A_47 = vector.shape_cast %convert_element_type3A_46 : vector<64x16xi32> to vector<1x64x16xi32>
    %swap3A_48 = arith.constant 0 : index
    %swap3A_49 = arith.constant 0 : index
    %swap3A_50 = arith.constant 0 : index
    %swap3A_51 = vector.load %arg5[%swap3A_48, %swap3A_49, %swap3A_50] : memref<1x64x16xi32, #tpu.memory_space<vmem>>, vector<1x64x16xi32>
    tpu.vector_store %arg5[%swap3A_48, %swap3A_49, %swap3A_50], %reshape3A_47 {strides = array<i32>} : memref<1x64x16xi32, #tpu.memory_space<vmem>>, vector<1x64x16xi32>,
    %broadcast_in_dim3A_52 = arith.constant 1.000000e+00 : f32
    %broadcast_in_dim3A_53 = vector.broadcast %broadcast_in_dim3A_52 : f32 to vector<1x1024xf32>
    %get3A_54 = arith.constant 0 : index
    %get3A_55 = arith.constant 0 : index
    %get3A_56 = vector.load %arg9[%get3A_54, %get3A_55] : memref<1x16xf32, #tpu.memory_space<vmem>>, vector<1x16xf32>
    %dot_general3A_57 = arith.constant dense<0.000000e+00> : vector<1x16xf32>
    %dot_general3A_58 = tpu.matmul %broadcast_in_dim3A_53, %convert_element_type3A_18, %dot_general3A_57 {dimension_numbers = #tpu.dot_dimension_numbers<[1], [1], [0], [0], [0, 0, 1, 0], [], []>, transpose_lhs_hint = false} : vector<1x1024xf32>, vector<16x1024xf32>, vector<1x16xf32> -> vector<1x16xf32>
    %add3A_59 = arith.addf %get3A_56, %dot_general3A_58 : vector<1x16xf32>
    %swap3A_60 = arith.constant 0 : index
    %swap3A_61 = arith.constant 0 : index
    %swap3A_62 = vector.load %arg9[%swap3A_60, %swap3A_61] : memref<1x16xf32, #tpu.memory_space<vmem>>, vector<1x16xf32>
    tpu.vector_store %arg9[%swap3A_60, %swap3A_61], %add3A_59 {strides = array<i32>} : memref<1x16xf32, #tpu.memory_space<vmem>>, vector<1x16xf32>,
    %get3A_63 = arith.constant 0 : index
    %get3A_64 = arith.constant 0 : index
    %get3A_65 = vector.load %arg8[%get3A_63, %get3A_64] : memref<1x16xf32, #tpu.memory_space<vmem>>, vector<1x16xf32>
    %dot_general3A_66 = arith.constant dense<0.000000e+00> : vector<1x16xf32>
    %dot_general3A_67 = tpu.matmul %div3A_11, %exp3A, %dot_general3A_66 {dimension_numbers = #tpu.dot_dimension_numbers<[1], [1], [0], [0], [0, 0, 1, 0], [], []>, transpose_lhs_hint = false} : vector<1x1024xf32>, vector<16x1024xf32>, vector<1x16xf32> -> vector<1x16xf32>
    %add3A_68 = arith.addf %get3A_65, %dot_general3A_67 : vector<1x16xf32>
    %swap3A_69 = arith.constant 0 : index
    %swap3A_70 = arith.constant 0 : index
    %swap3A_71 = vector.load %arg8[%swap3A_69, %swap3A_70] : memref<1x16xf32, #tpu.memory_space<vmem>>, vector<1x16xf32>
    tpu.vector_store %arg8[%swap3A_69, %swap3A_70], %add3A_68 {strides = array<i32>} : memref<1x16xf32, #tpu.memory_space<vmem>>, vector<1x16xf32>,
    %eq3A_72 = arith.constant 3 : i32
    %eq3A_73 = arith.cmpi eq, %arg0, %eq3A_72 : i32
    %convert_element_type3A_74 = arith.extui %eq3A_73 : i1 to i32
    %cond3A_75 = arith.constant 0 : i32
    %cond3A_76 = arith.cmpi ne, %convert_element_type3A_74, %cond3A_75 : i32
    scf.if %cond3A_76 {
      %get3A_77 = arith.constant 0 : index
      %get3A_78 = arith.constant 0 : index
      %get3A_79 = vector.load %arg9[%get3A_77, %get3A_78] : memref<1x16xf32, #tpu.memory_space<vmem>>, vector<1x16xf32>
      %convert_element_type3A_80 = arith.fptosi %get3A_79 : vector<1x16xf32> to vector<1x16xi32>
      %swap3A_81 = arith.constant 0 : index
      %swap3A_82 = arith.constant 0 : index
      %swap3A_83 = vector.load %arg6[%swap3A_81, %swap3A_82] : memref<1x16xi32, #tpu.memory_space<vmem>>, vector<1x16xi32>
      tpu.vector_store %arg6[%swap3A_81, %swap3A_82], %convert_element_type3A_80 {strides = array<i32>} : memref<1x16xi32, #tpu.memory_space<vmem>>, vector<1x16xi32>,
      %get3A_84 = arith.constant 0 : index
      %get3A_85 = arith.constant 0 : index
      %get3A_86 = vector.load %arg8[%get3A_84, %get3A_85] : memref<1x16xf32, #tpu.memory_space<vmem>>, vector<1x16xf32>
      %get3A_87 = arith.constant 0 : index
      %get3A_88 = arith.constant 0 : index
      %get3A_89 = vector.load %arg9[%get3A_87, %get3A_88] : memref<1x16xf32, #tpu.memory_space<vmem>>, vector<1x16xf32>
      %mul3A_90 = arith.mulf %get3A_86, %get3A_89 : vector<1x16xf32>
      %reduce_sum3A_91 = vector.shape_cast %mul3A_90 : vector<1x16xf32> to vector<1x1x16xf32>
      %reduce_sum3A_92 = arith.constant dense<0.000000e+00> : vector<1xf32>
      %reduce_sum3A_93 = vector.multi_reduction <add>, %reduce_sum3A_91, %reduce_sum3A_92 [1, 2] : vector<1x1x16xf32> to vector<1xf32>
      %reduce_sum3A_94 = vector.shape_cast %reduce_sum3A_93 : vector<1xf32> to vector<1x1x1xf32>
      %reduce_sum3A_95 = vector.extract %reduce_sum3A_94[0, 0, 0] : f32 from vector<1x1x1xf32>
      %mul3A_96 = arith.constant 9.53674316E-7 : f32
      %mul3A_97 = arith.mulf %reduce_sum3A_95, %mul3A_96 : f32
      %broadcast_in_dim3A_98 = vector.broadcast %mul3A_97 : f32 to vector<1x1xf32>
      %swap3A_99 = arith.constant 0 : index
      %swap3A_100 = arith.constant 0 : index
      %swap3A_101 = vector.load %arg7[%swap3A_99, %swap3A_100] : memref<1x1xf32, #tpu.memory_space<vmem>>, vector<1x1xf32>
      tpu.vector_store %arg7[%swap3A_99, %swap3A_100], %broadcast_in_dim3A_98 {strides = array<i32>} : memref<1x1xf32, #tpu.memory_space<vmem>>, vector<1x1xf32>,
    } else {
    }
    return
  }
  func.func @transform_0(%arg0: i32) -> (i32, i32) {
    %c0_i32 = arith.constant 0 : i32
    %c0_i32_0 = arith.constant 0 : i32
    return %arg0, %c0_i32 : i32, i32
  }
  func.func @transform_1(%arg0: i32) -> (i32, i32) {
    %c0_i32 = arith.constant 0 : i32
    %c0_i32_0 = arith.constant 0 : i32
    %c0_i32_1 = arith.constant 0 : i32
    return %c0_i32, %c0_i32_0 : i32, i32
  }
  func.func @transform_2(%arg0: i32) -> i32 {
    %c0_i32 = arith.constant 0 : i32
    return %arg0 : i32
  }
  func.func @transform_3(%arg0: i32) -> (i32, i32) {
    %c0_i32 = arith.constant 0 : i32
    %c0_i32_0 = arith.constant 0 : i32
    return %arg0, %c0_i32 : i32, i32
  }
  func.func @transform_4(%arg0: i32) -> (i32, i32, i32) {
    %c0_i32 = arith.constant 0 : i32
    %c0_i32_0 = arith.constant 0 : i32
    %c0_i32_1 = arith.constant 0 : i32
    return %arg0, %c0_i32, %c0_i32_0 : i32, i32, i32
  }
  func.func @transform_5(%arg0: i32) -> (i32, i32) {
    %c0_i32 = arith.constant 0 : i32
    %c0_i32_0 = arith.constant 0 : i32
    %c0_i32_1 = arith.constant 0 : i32
    return %c0_i32, %c0_i32_0 : i32, i32
  }
  func.func @transform_6(%arg0: i32) -> (i32, i32) {
    %c0_i32 = arith.constant 0 : i32
    %c0_i32_0 = arith.constant 0 : i32
    %c0_i32_1 = arith.constant 0 : i32
    return %c0_i32, %c0_i32_0 : i32, i32
  }
}

</mosaic_0001>

<sc_bundles>
// kernel: kernel.5.cloned.1.call-start
scs
__scs_entry_jumppad:
0x0: {  	(pc) =	sbr.rel $0x88, $3  }
0x1: {  	(tag) =	ssettag $0x0;
	lr =	simm.s32 $0x1  }
0x2: {  	[smem:$0x3F9F] =	sst lr;
	_ =	strace $0xD0000000  }
0x3: {  	_ = 	snop  }
0x4: {  	_ = 	snop  }
0x5: {  	_ = 	snop  }
0x6: {  	_ = 	snop  }
0x7: {  	_ = 	snop  }
__scs_overlays_trampoline_lowered:
0x8: {  	[smem:$0x3FAE] =	sst s0  }
0x9: {  	[smem:$0x3FAF] =	sst s1  }
0xa: {  	[smem:$0x3FB0] =	sst s2  }
0xb: {  	[smem:$0x3FB1] =	sst s3  }
0xc: {  	[smem:$0x3FB2] =	sst s4  }
0xd: {  	[smem:$0x3FB3] =	sst s5  }
0xe: {  	[smem:$0x3FB4] =	sst s6  }
0xf: {  	[smem:$0x3FB5] =	sst s7  }
0x10: {  	[smem:$0x3FB6] =	sst s8  }
0x11: {  	[smem:$0x3FB7] =	sst s9;
	s0 =	simm.s32 @!p0 $0x0  }
0x12: {  	s1 =	sld [smem:$0x3F9D];
	s0 =	simm.s32 @p0 $0x1  }
0x13: {  	[smem:$0x3FB8] =	sst s0;
	s0 =	simm.s32 @!p1 $0x0  }
0x14: {  	s2 =	sld [smem:$0x3F9C];
	s0 =	simm.s32 @p1 $0x1  }
0x15: {  	[smem:$0x3FB9] =	sst s0;
	s0 =	simm.s32 @!p2 $0x0  }
0x16: {  	s3 =	sld [smem:$0x3FDB];
	s0 =	simm.s32 @p2 $0x1  }
0x17: {  	s4 =	simm.s32 $0x1BF5;
	[smem:$0x3FBB] =	sst s0  }
0x18: {  	s0 =	sld [smem:$0x3F9E];
	_ =	swait.ge [sflag:s4], $0x0  }
0x19: {  	s7 =	sld [smem:$0x3F9F]  }
0x1a: {  	s8 =	sadd.s32 $0xFFFFE003, lr  }
0x1b: {  	s9 =	sadd.s32 $0xFFFFFEF7, lr;
	s5 =	simm.s32 $0xFFFFFFFF;
	p2 =	slt.u32 s8, $0xFFFFF086  }
0x1c: {  	p1 =	slt.u32 s9, $0xF7A;
	s5 =	simm.s32 @!p2 $0x0  }
0x1d: {  	s5 =	simm.s32 @p1 $0x1;
	p0 =	seq.s32 s7, s2  }
0x1e: {  	s7 =	smul.u32 @!p0 $0xF7A, s2;
	p2 =	seq.s32 @!p0 s5, $0x0  }
0x1f: {  	s9 =	smul.u32 $0xF7A, s1;
	s8 =	simm.s32 @!p0 $0x1BF5;
	p2 =	por !p2, p0  }
0x20: {  	[sflag:s8] =	ssyncset.s32 @!p0 $0xFFFFF086;
	s6 =	sadd.s32 @!p0 s3, s7;
	s7 =	simm.s32 @!p0 $0x108  }
0x21: {  	s3 =	sadd.s32 s3, s9;
	s6 =	sadd.s32 @!p0 $0x88, s6;
	s7 =	simm.s32 @p2 $0x1082  }
0x22: {  	[simem:s7], [sflag:s8] =	dma.local @!p0 [hbm:s6], $0xF7A  }
0x23: {  	s9 =	sor.u32 $0xD0000000, s2;
	s6 =	simm.s32 $0x108;
	_ =	swait.ge @!p0 [sflag:s8], $0x0  }
0x24: {  	s3 =	sadd.s32 $0x88, s3;
	s6 =	simm.s32 @!p1 $0x1082;
	[sflag:s4] =	ssyncset.s32 $0xFFFFF086  }
0x25: {  	[simem:s6], [sflag:s4] =	dma.local [hbm:s3], $0xF7A  }
0x26: {  	[smem:$0x3F9F] =	sst s1;
	(tag) =	ssettag s2;
	_ =	strace s9  }
0x27: {  	s1 =	sld [smem:$0x3FAF]  }
0x28: {  	s2 =	sld [smem:$0x3FB0]  }
0x29: {  	s4 =	sld [smem:$0x3FB2]  }
0x2a: {  	p0 =	seq.s32 s5, $0x0;
	s5 =	sld [smem:$0x3FB3]  }
0x2b: {  	s6 =	sld [smem:$0x3FB4]  }
0x2c: {  	s7 =	sld [smem:$0x3FB5]  }
0x2d: {  	s3 =	simm.s32 $0x108;
	s8 =	sld [smem:$0x3FB6]  }
0x2e: {  	s3 =	simm.s32 @!p0 $0x1082;
	s9 =	sld [smem:$0x3FB7]  }
0x2f: {  	lr =	sadd.s32 s0, s3;
	s0 =	sld [smem:$0x3FAE]  }
0x30: {  	s3 =	sld [smem:$0x3FB1]  }
0x31: {  	[smem:$0x3FBA] =	sst s10  }
0x32: {  	s10 =	sld [smem:$0x3FB8];
	_ =	sdelay $0x3  }
0x33: {  	p0 =	seq.s32 s10, $0x1;
	s10 =	sld [smem:$0x3FBA];
	_ =	sdelay $0x3  }
0x34: {  	[smem:$0x3FBA] =	sst s10  }
0x35: {  	s10 =	sld [smem:$0x3FB9];
	_ =	sdelay $0x3  }
0x36: {  	p1 =	seq.s32 s10, $0x1;
	s10 =	sld [smem:$0x3FBA];
	_ =	sdelay $0x3  }
0x37: {  	[smem:$0x3FBA] =	sst s10  }
0x38: {  	s10 =	sld [smem:$0x3FBB]  }
0x39: {  	_ = 	snop;
	(pc) =	sbr.ind lr, $3  }
0x3a: {  	_ = 	snop  }
0x3b: {  	_ = 	snop  }
0x3c: {  	p2 =	seq.s32 s10, $0x1;
	s10 =	sld [smem:$0x3FBA]  }
0x3d: {  	_ =	shalt  }
0x3e: {  	_ =	shalt  }
0x3f: {  	_ =	shalt  }
0x40: {  	_ =	shalt  }
0x41: {  	_ =	shalt  }
0x42: {  	_ =	shalt  }
0x43: {  	_ =	shalt  }
0x44: {  	_ =	shalt  }
0x45: {  	_ =	shalt  }
0x46: {  	_ =	shalt  }
0x47: {  	_ =	shalt  }
0x48: {  	_ =	shalt  }
0x49: {  	_ =	shalt  }
0x4a: {  	_ =	shalt  }
0x4b: {  	_ =	shalt  }
0x4c: {  	_ =	shalt  }
0x4d: {  	_ =	shalt  }
0x4e: {  	_ =	shalt  }
0x4f: {  	_ =	shalt  }
0x50: {  	_ =	shalt  }
0x51: {  	_ =	shalt  }
0x52: {  	_ =	shalt  }
0x53: {  	_ =	shalt  }
0x54: {  	_ =	shalt  }
0x55: {  	_ =	shalt  }
0x56: {  	_ =	shalt  }
0x57: {  	_ =	shalt  }
0x58: {  	_ =	shalt  }
0x59: {  	_ =	shalt  }
0x5a: {  	_ =	shalt  }
0x5b: {  	_ =	shalt  }
0x5c: {  	_ =	shalt  }
0x5d: {  	_ =	shalt  }
0x5e: {  	_ =	shalt  }
0x5f: {  	_ =	shalt  }
0x60: {  	_ =	shalt  }
0x61: {  	_ =	shalt  }
0x62: {  	_ =	shalt  }
0x63: {  	_ =	shalt  }
0x64: {  	_ =	shalt  }
0x65: {  	_ =	shalt  }
0x66: {  	_ =	shalt  }
0x67: {  	_ =	shalt  }
0x68: {  	_ =	shalt  }
0x69: {  	_ =	shalt  }
0x6a: {  	_ =	shalt  }
0x6b: {  	_ =	shalt  }
0x6c: {  	_ =	shalt  }
0x6d: {  	_ =	shalt  }
0x6e: {  	_ =	shalt  }
0x6f: {  	_ =	shalt  }
0x70: {  	_ =	shalt  }
0x71: {  	_ =	shalt  }
0x72: {  	_ =	shalt  }
0x73: {  	_ =	shalt  }
0x74: {  	_ =	shalt  }
0x75: {  	_ =	shalt  }
0x76: {  	_ =	shalt  }
0x77: {  	_ =	shalt  }
0x78: {  	_ =	shalt  }
0x79: {  	_ =	shalt  }
0x7a: {  	_ =	shalt  }
0x7b: {  	_ =	shalt  }
0x7c: {  	_ =	shalt  }
0x7d: {  	_ =	shalt  }
0x7e: {  	_ =	shalt  }
0x7f: {  	_ =	shalt  }
0x80: {  	_ =	shalt  }
0x81: {  	_ =	shalt  }
0x82: {  	_ =	shalt  }
0x83: {  	_ =	shalt  }
0x84: {  	_ =	shalt  }
0x85: {  	_ =	shalt  }
0x86: {  	_ =	shalt  }
0x87: {  	_ =	shalt  }
.Lfunc_end0:
.L_simem_size_0:
called_computation_lowered:
.L_overlay_start_0:
0x88: {  	s2 =	sld [smem:$0x3FD9]  }
0x89: {  	s3 =	sld [smem:$0x3FFE];
	_ =	sdelay $0x1  }
0x8a: {  	s1 =	srdreg.scid  }
0x8b: {  	s0 =	sand.u32 $0x1, s1  }
0x8c: {  	s14 =	sshll.u32 s0, $0xA;
	s2 =	sadd.s32 s3, s2  }
0x8d: {  	s2 =	sadd.s32 s2, s14  }
0x8e: {  	[smem:$0x3FC6] =	sst s2  }
0x8f: {  	_ = 	snop  }
0x90: {  	s2 =	sld [smem:$0x3FD0];
	_ =	sdelay $0x2  }
0x91: {  	s15 =	simm.s32 $0xA;
	s4 =	simm.s32 $0x10  }
0x92: {  	[smem:s4], [sflag:s15] =	dma.local [hbm:s2], $0x1  }
0x93: {  	_ =	swait.eq [sflag:s15], $0x1  }
0x94: {  	[sflag:s15] =	ssyncset.done $0x0  }
0x95: {  	s16 =	sld [smem:$0x11];
	[sflag:s15] =	ssyncadd.s32 $0xFFFFFFFF  }
0x96: {  	s17 =	sld [smem:$0x12];
	(tm) =	ssettm $0x1  }
0x97: {  	s18 =	sld [smem:$0x3FFB];
	_ =	sdelay $0x3  }
0x98: {  	_ =	strace s18  }
0x99: {  	s4 =	sld [smem:$0x3FFC];
	_ =	sdelay $0x3  }
0x9a: {  	_ =	strace s4  }
0x9b: {  	s4 =	sld [smem:$0x3FFD];
	_ =	sdelay $0x3  }
0x9c: {  	_ =	strace s4  }
0x9d: {  	_ =	strace $0x8FFFFFFF  }
0x9e: {  	s19 =	sld [smem:$0x3FDB];
	_ =	sdelay $0x1  }
0x9f: {  	s5 =	simm.s32 $_scs_section_size  }
0xa0: {  	s6 =	simm.s32 $_size__tile_overlayer_lowered;
	s7 =	simm.s32 $_tile_overlayer_lowered  }
0xa1: {  	s22 =	simm.s32 $0x1BFF;
	s21 =	sshll.u32 s7, $0x1;
	s4 =	sadd.s32 s5, s19  }
0xa2: {  	s8 =	simm.s32 $0x0;
	s20 =	sshll.u32 s6, $0x1;
	s6 =	sadd.s32 s21, s4  }
0xa3: {  	[timem:s8], [sflag:s22] =	dma.local [hbm:s6], s20  }
0xa4: {  	_ =	swait.ge [sflag:s22], s20  }
0xa5: {  	s5 =	ssub.s32 $0x0, s20;
	[sflag:s22] =	ssyncset.done $0x0  }
0xa6: {  	[sflag:s22] =	ssyncadd.s32 s5;
	_ =	sdelay $0x1  }
0xa7: {  	s23 =	simm.s32 $0x1B8B  }
0xa8: {  	_ =	swait.ge [sflag:s23], $0x1  }
0xa9: {  	[sflag:s23] =	ssyncset.done $0x0  }
0xaa: {  	s25 =	simm.s32 $0x1B8E;
	s24 =	sld [smem:$0x3FFE];
	[sflag:s23] =	ssyncadd.s32 $0xFFFFFFFF  }
0xab: {  	s26 =	simm.s32 $execute0_lowered;
	[smem:$0x3FD2] =	sst s25  }
0xac: {  	s6 =	sshll.u32 s26, $0x1;
	_ =	strace $0x80000046;
	[dreg:$0x1] =	wrdreg $0xFFFFFFFF  }
0xad: {  	s28 =	simm.s32 $_size_execute0_lowered;
	s4 =	sadd.s32 s4, s6;
	[dreg:$0x0] =	wrdreg $0x0  }
0xae: {  	s6 =	sshll.u32 s28, $0x1;
	[dreg:$0x2] =	wrdreg s4  }
0xaf: {  	[dreg:$0x3] =	wrdreg s6  }
0xb0: {  	[dreg:$0x4] =	wrdreg $0xC0  }
0xb1: {  	_ =	task [dreg:s8], $0x5FFFF  }
0xb2: {  	[dreg:$0x1] =	wrdreg $0xFFFFFFFF  }
0xb3: {  	[dreg:$0x0] =	wrdreg $0x60  }
0xb4: {  	[dreg:$0x2] =	wrdreg s16  }
0xb5: {  	[dreg:$0x3] =	wrdreg s17  }
0xb6: {  	[dreg:$0x4] =	wrdreg s24  }
0xb7: {  	[dreg:$0x5] =	wrdreg $0x9  }
0xb8: {  	_ =	task.clear_ibuf [dreg:s8], $0x6FFFF;
	_ =	strace $0x90000046  }
0xb9: {  	s29 =	simm.s32 $0x9;
	_ =	strace $0x80000048  }
0xba: {  	_ =	swait.ge [sflag:s29], $0x1  }
0xbb: {  	[sflag:s29] =	ssyncadd.s32 $0xFFFFFFFF  }
0xbc: {  	_ =	strace $0x90000048  }
0xbd: {  	_ =	sfence  }
0xbe: {  	s30 =	sld [smem:$0x0];
	_ =	sdelay $0x2  }
0xbf: {  	s31 =	sshll.u32 s1, $0xD;
	s1 =	sshrl.u32 s1, $0x2  }
0xc0: {  	s3 =	sand.u32 $0x4000, s31;
	s1 =	sadd.s32 s1, s30  }
0xc1: {  	s0 =	sor.u32 s3, s0;
	s1 =	sshll.u32 s1, $0x11  }
0xc2: {  	s0 =	sor.u32 s1, s0  }
0xc3: {  	s0 =	sadd.s32 $0x8F2B, s0  }
0xc4: {  	[sflag:s0] =	ssyncadd.remote.s32 $0x1  }
0xc5: {  	_ =	sfence.sel $0xFFFF  }
0xc6: {  	[dreg:$0x0] =	wrdreg $0xFFFFFFFF;
	(pc) =	sbr.abs _section_cstart, $3  }
0xc7: {  	[dreg:$0x1] =	wrdreg $0xFFFFFFFF  }
0xc8: {  	_ =	task.clear_ibuf [dreg:s8], $0x2FFFF;
	_ =	strace $0x9FFFFFFF  }
0xc9: {  	(tm) =	ssettm $0x7FFFFFFF  }
tec
execute0_lowered:
.L_overlay_start_1:
0x0: {  	(tag) =	ssettag $0x1  }
0x1: {  	v0 =	vimm.s32 $0xEDCBA987;
	v1 =	vimm.s32 $0x6543210F;
	vm0 =	vcmask $0x300  }
0x2: {  	v29 =	vimm.s32 $0xFFFFFFFF;
	v4 =	vimm.s32 $0x43210FED;
	vm15 =	vcmask $0x700  }
0x3: {  	v7 =	vimm.s32 $0x210FEDCB;
	vm4 =	vcmask $0xB00;
	vm5 =	vcmask $0xF00  }
0x4: {  	vm6 =	vcmask $0x1300;
	v10 =	vimm.s32 $0x98765432;
	v11 =	vimm.s32 $0x10FEDCBA  }
0x5: {  	v12 =	vimm.s32 $0x87654321;
	v13 =	vimm.s32 $0xFEDCBA9;
	v14 =	vimm.s32 $0xFEDCBA98  }
0x6: {  	v25 =	vimm.s32 $0x76543210;
	vm7 =	vcmask $0x1700;
	vm8 =	vcmask $0x1B00  }
0x7: {  	vm9 =	vcmask $0x2300;
	vm10 =	vcmask $0x2700;
	vm11 =	vcmask $0x2B00  }
0x8: {  	vm12 =	vcmask $0x2F00;
	vm13 =	vcmask $0x3300;
	vm14 =	vcmask $0x3700  }
0x9: {  	v0 =	vunpack.c.l.s4.s8 v0;
	v1 =	vunpack.c.l.s4.s8 v1;
	v4 =	vunpack.c.l.s4.s8 v4  }
0xa: {  	v7 =	vunpack.c.l.s4.s8 v7;
	v9 =	vsel vm6, $0x0, v29;
	v10 =	vunpack.c.l.s4.s8 v10  }
0xb: {  	v11 =	vunpack.c.l.s4.s8 v11;
	v12 =	vunpack.c.l.s4.s8 v12;
	v13 =	vunpack.c.l.s4.s8 v13  }
0xc: {  	v14 =	vunpack.c.l.s4.s8 v14;
	v15 =	vunpack.c.0.s8.s32 v0;
	v16 =	vunpack.c.0.s8.s32 v1  }
0xd: {  	v0 =	vimm.s32 $0xDCBA9876;
	v1 =	vimm.s32 $0x543210FE;
	v20 =	vunpack.c.0.s8.s32 v4  }
0xe: {  	v4 =	vimm.s32 $0xA9876543;
	v24 =	vunpack.c.0.s8.s32 v7;
	v7 =	vsel vm5, $0x0, v29  }
0xf: {  	v26 =	vunpack.c.0.s8.s32 v10;
	v27 =	vunpack.c.0.s8.s32 v11;
	v11 =	vunpack.c.l.s4.s8 v25  }
0x10: {  	v28 =	vunpack.c.0.s8.s32 v12;
	v30 =	vunpack.c.0.s8.s32 v13;
	v13 =	vunpack.c.0.s8.s32 v14  }
0x11: {  	v25 =	vlaneseq.u32;
	v2 =	vunpack.c.l.s4.s8 v0;
	v1 =	vunpack.c.l.s4.s8 v1  }
0x12: {  	v8 =	vunpack.c.l.s4.s8 v4;
	v31 =	vshrl.u32 v25, $0x3;
	v0 =	vcombine.low v16, v15  }
0x13: {  	v10 =	vcombine.low v27, v26;
	v14 =	vunpack.c.0.s8.s32 v11;
	v11 =	vsel vm7, $0x0, v29  }
0x14: {  	v12 =	vcombine.low v30, v28;
	v13 =	vand.u32 $0xF, v13;
	v15 =	vcombine.low v15, v16  }
0x15: {  	v16 =	vsel vm9, $0x0, v29;
	v25 =	vcombine.low v26, v27;
	v26 =	vsel vm14, $0x0, v29  }
0x16: {  	v27 =	vcombine.low v28, v30;
	v18 =	vunpack.c.0.s8.s32 v1;
	v1 =	vimm.s32 $0xCBA98765  }
0x17: {  	s3 =	rddreg [dreg:$0x0];
	v28 =	vmul.u32 $0xFFFFFFFF, v31;
	v17 =	vunpack.c.0.s8.s32 v2;
	v3 =	vunpack.c.l.s4.s8 v1  }
0x18: {  	s4 =	rddreg [dreg:$0x1];
	v23 =	vunpack.c.0.s8.s32 v8;
	v1 =	vsel vm0, $0x0, v29;
	v13 =	vcombine.low v13, v14  }
0x19: {  	s0 =	srdreg.scid;
	s6 =	rddreg [dreg:$0x2];
	v14 =	vsel vm8, $0x0, v29;
	v19 =	vunpack.c.0.s8.s32 v3;
	v3 =	vimm.s32 $0xBA987654  }
0x1a: {  	s1 =	rddreg [dreg:$0x3];
	s2 =	simm.s32 $0x0;
	s5 =	sand.u32 $0x1, s0;
	v2 =	vcombine.low v18, v17;
	v5 =	vunpack.c.l.s4.s8 v3;
	v3 =	vimm.s32 $0x3210FEDC  }
0x1b: {  	s0 =	stileid.u32;
	s7 =	sshll.u32 s5, $0x4;
	s5 =	ssub.s32 $0x2, s5;
	v8 =	vcombine.low v24, v23;
	v17 =	vcombine.low v17, v18;
	v6 =	vunpack.c.l.s4.s8 v3  }
0x1c: {  	[smem:$0x7FF] =	sst s2;
	s7 =	sor.u32 s0, s7;
	s9 =	sshrl.u32 s5, $0x1;
	v18 =	vsel vm10, $0x0, v29;
	v23 =	vcombine.low v23, v24;
	v24 =	vsel vm13, $0x0, v29  }
0x1d: {  	_ =	strace $0x80000047;
	s8 =	sshll.u32 s7, $0x4;
	s9 =	ssub.s32 s5, s9;
	v3 =	vsel vm15, $0x0, v29;
	v21 =	vunpack.c.0.s8.s32 v5;
	v22 =	vunpack.c.0.s8.s32 v6  }
0x1e: {  	s31 =	sshll.u32 s7, $0x7;
	s7 =	simm.s32 $0x1;
	s6 =	sadd.s32 s8, s6;
	v4 =	vcombine.low v20, v19;
	v19 =	vcombine.low v19, v20;
	v20 =	vsel vm11, $0x0, v29  }
0x1f: {  	s3 =	sadd.s32 s3, s8;
	s4 =	sadd.s32 s4, s31;
	s8 =	simm.s32 $0x80;
	vm15 =	vcmask $0x3B00;
	v5 =	vsel vm4, $0x0, v29;
	v6 =	vcombine.low v22, v21  }
0x20: {  	s5 =	sadd.s32 $0xE00, s6;
	s6 =	smax.u32 s9, $0x1;
	s9 =	simm.s32 $0x0;
	v21 =	vcombine.low v21, v22;
	v22 =	vsel vm12, $0x0, v29;
	v29 =	vsel vm15, $0x0, v29  }
.LBB2_1:
0x21: {  	[tilespmem:s2], [sflag:$0x1] =	stream.linear.gather [hbm4b:s3+s2], $0x80, $0x38;
	[tilespmem:$0x500] =	vst v63  }
0x22: {  	_ =	swait.ge [sflag:s7], $0x80  }
0x23: {  	[sflag:s7] =	ssyncset.done $0x0  }
0x24: {  	s11 =	simm.s32 $0x100;
	[sflag:s7] =	ssyncadd.s32 $0xFFFFFF80  }
0x25: {  	[tilespmem:s11], [sflag:$0x1] =	stream.linear.gather [hbm4b:s4+s2], $0x400, $0x38;
	[tilespmem:$0x500] =	vst v63  }
0x26: {  	_ =	swait.ge [sflag:s7], $0x400  }
0x27: {  	[sflag:s7] =	ssyncset.done $0x0  }
0x28: {  	s10 =	simm.s32 $0x0;
	[sflag:s7] =	ssyncadd.s32 $0xFFFFFC00  }
0x29: {  	v30 =	vld [tilespmem:s10+$0x0];
	_ =	sdelay $0x4  }
0x2a: {  	v31 =	vperm.xlane v30, v0;
	v32 =	vperm.xlane v30, v4  }
0x2b: {  	v34 =	vperm.xlane v30, v6;
	v35 =	vperm.xlane v30, v25  }
0x2c: {  	v36 =	vperm.xlane v30, v23;
	v58 =	vperm.xlane v30, v21  }
0x2d: {  	v38 =	vperm.xlane v30, v2;
	v40 =	vperm.xlane v30, v8  }
0x2e: {  	v60 =	vperm.xlane v30, v19;
	v42 =	vperm.xlane v30, v10  }
0x2f: {  	v61 =	vperm.xlane v30, v17;
	v62 =	vperm.xlane v30, v12  }
0x30: {  	v45 =	vperm.xlane v30, v13;
	v63 =	vperm.xlane v30, v15;
	v31 =	vsub.s32 v30, v31  }
0x31: {  	v32 =	vsub.s32 v30, v32;
	v57 =	vsub.s32 v30, v34;
	v59 =	vsub.s32 v30, v38  }
0x32: {  	v40 =	vsub.s32 v30, v40;
	v42 =	vsub.s32 v30, v42;
	v45 =	vsub.s32 v30, v45  }
0x33: {  	v48 =	vsub.s32 v30, v62;
	v38 =	vsub.s32 v30, v60;
	v50 =	vsub.s32 v30, v63  }
0x34: {  	v34 =	vsub.s32 v30, v58;
	v56 =	vsub.s32 v30, v36;
	v33 =	vsub.s32 $0x0, v31  }
0x35: {  	v39 =	vsub.s32 $0x0, v57;
	v41 =	vsub.s32 $0x0, v59;
	v43 =	vsub.s32 $0x0, v40  }
0x36: {  	v44 =	vsub.s32 $0x0, v42;
	v49 =	vsub.s32 $0x0, v48;
	v52 =	vsub.s32 $0x0, v50  }
0x37: {  	v53 =	vsub.s32 $0x0, v38;
	v58 =	vsub.s32 $0x0, v34;
	v33 =	vmin.u32 v31, v33  }
0x38: {  	v31 =	vsub.s32 $0x0, v32;
	v39 =	vmin.u32 v57, v39;
	v40 =	vmin.u32 v40, v43  }
0x39: {  	v42 =	vmin.u32 v42, v44;
	v55 =	vmin.u32 v38, v53;
	v57 =	vsub.s32 $0x0, v45  }
0x3a: {  	v34 =	vmin.u32 v34, v58;
	vm0 =	vlt.s32 v33, $0x1;
	v32 =	vmin.u32 v32, v31  }
0x3b: {  	v31 =	vperm.xlane v30, v27;
	vm1 =	vlt.s32 v40, $0x1;
	v33 =	vnsel vm0, $0x1, v33  }
0x3c: {  	vm0 =	vlt.s32 v32, $0x1;
	v40 =	vnsel vm1, $0x1, v40;
	vm1 =	vlt.s32 v34, $0x1  }
0x3d: {  	v33 =	vsub.s32 $0x1, v33;
	v32 =	vnsel vm0, $0x1, v32;
	vm0 =	vlt.s32 v39, $0x1  }
0x3e: {  	v46 =	vsub.s32 $0x1, v40;
	v60 =	vnsel vm1, $0x1, v34;
	v32 =	vsub.s32 $0x1, v32  }
0x3f: {  	v37 =	vand.u32 v5, v32;
	v32 =	vsub.s32 v30, v35;
	v35 =	vmin.u32 v59, v41  }
0x40: {  	v33 =	vand.u32 v1, v33;
	v39 =	vnsel vm0, $0x1, v39;
	vm0 =	vlt.s32 v35, $0x1  }
0x41: {  	v39 =	vsub.s32 $0x1, v39;
	v41 =	vsub.s32 v30, v61;
	v35 =	vnsel vm0, $0x1, v35  }
0x42: {  	v39 =	vand.u32 v7, v39;
	vm0 =	vlt.s32 v42, $0x1;
	v35 =	vsub.s32 $0x1, v35  }
0x43: {  	v51 =	vsub.s32 $0x0, v41;
	v47 =	vnsel vm0, $0x1, v42;
	v35 =	vand.u32 v3, v35  }
0x44: {  	v41 =	vmin.u32 v41, v51;
	v40 =	vsub.s32 $0x1, v47;
	v33 =	vadd.s32 v33, v35  }
0x45: {  	v35 =	vand.u32 v9, v46;
	v40 =	vand.u32 v11, v40;
	v46 =	vsub.s32 $0x0, v56  }
0x46: {  	v47 =	vld [tilespmem:s11+$0x0];
	v33 =	vadd.s32 v37, v33;
	v37 =	vmin.u32 v48, v49;
	v61 =	vmin.u32 v56, v46  }
0x47: {  	v33 =	vadd.s32 v39, v33;
	vm0 =	vlt.s32 v37, $0x1;
	v39 =	vmin.u32 v45, v57  }
0x48: {  	v37 =	vnsel vm0, $0x1, v37;
	v33 =	vadd.s32 v35, v33;
	vm0 =	vlt.s32 v41, $0x1  }
0x49: {  	v35 =	vmin.u32 v50, v52;
	v54 =	vsub.s32 $0x1, v37;
	v37 =	vnsel vm0, $0x1, v41  }
0x4a: {  	v36 =	vadd.s32 v40, v33;
	vm0 =	vlt.s32 v55, $0x1;
	v33 =	vsub.s32 $0x1, v60  }
0x4b: {  	v34 =	vperm.xlane v47, v30;
	v59 =	vnsel vm0, $0x1, v55;
	vm0 =	vlt.s32 v35, $0x1  }
0x4c: {  	v38 =	vand.u32 v14, v54;
	v33 =	vand.u32 v22, v33;
	v62 =	vnsel vm0, $0x1, v35  }
0x4d: {  	vm0 =	vlt.s32 v61, $0x1;
	v63 =	vsub.s32 $0x1, v59;
	v35 =	vsub.s32 $0x1, v62  }
0x4e: {  	v41 =	vnsel vm0, $0x1, v61;
	vm0 =	vlt.s32 v39, $0x1;
	v40 =	vand.u32 v16, v35  }
0x4f: {  	s14 =	simm.s32 $0x40;
	v35 =	vand.u32 v20, v63;
	v42 =	vsub.s32 $0x1, v41;
	v41 =	vsub.s32 $0x0, v32  }
.LBB2_2:
0x50: {  	s12 =	smov.u32 s14  }
0x51: {  	s13 =	sshra.s32 s14, $0x2;
	v39 =	vnsel vm0, $0x1, v39;
	v37 =	vsub.s32 $0x1, v37;
	v31 =	vsub.s32 v30, v31;
	s11 =	sadd.s32 $0x80, s11;
	s12 =	sadd.s32 $0x40, s14  }
0x52: {  	p0 =	sne.s32 s14, $0x1C0;
	v42 =	vand.u32 v24, v42;
	v39 =	vsub.s32 $0x1, v39;
	v44 =	vsub.s32 $0x0, v31;
	v43 =	vld [tilespmem:s13+$0x0]  }
0x53: {  	v36 =	vadd.s32 v38, v36;
	v38 =	vand.u32 v28, v39;
	v31 =	vmin.u32 v31, v44  }
0x54: {  	v36 =	vadd.s32 v38, v36;
	vm0 =	vlt.s32 v31, $0x1;
	v38 =	vshll.u32 v30, $0x8  }
0x55: {  	v44 =	vadd.s32 v40, v36;
	v36 =	vand.u32 v18, v37;
	v31 =	vnsel vm0, $0x1, v31  }
0x56: {  	v32 =	vmin.u32 v32, v41;
	v36 =	vadd.s32 v36, v44;
	v40 =	vsub.s32 $0x1, v31  }
0x57: {  	v39 =	vand.u32 v29, v40;
	v37 =	vperm.xlane v43, v0;
	v31 =	vperm.xlane v43, v27;
	v30 =	vmovc v43  }
0x58: {  	vm0 =	vlt.s32 v32, $0x1;
	v40 =	vperm.xlane v30, v4;
	v41 =	vperm.xlane v30, v25  }
0x59: {  	v35 =	vadd.s32 v35, v36;
	v43 =	vperm.xlane v30, v6;
	v37 =	vsub.s32 v30, v37  }
0x5a: {  	v34 =	vadd.s32 v34, v35;
	v36 =	vsub.s32 $0x0, v37;
	v40 =	vsub.s32 v30, v40  }
0x5b: {  	v33 =	vadd.s32 v33, v34;
	v35 =	vmin.u32 v37, v36;
	v36 =	vsub.s32 $0x0, v40  }
0x5c: {  	v32 =	vnsel vm0, $0x1, v32;
	vm1 =	vlt.s32 v35, $0x1;
	v34 =	vmin.u32 v40, v36  }
0x5d: {  	v32 =	vsub.s32 $0x1, v32;
	v35 =	vnsel vm1, $0x1, v35;
	vm0 =	vlt.s32 v34, $0x1  }
0x5e: {  	v36 =	vand.u32 v26, v32;
	v35 =	vsub.s32 $0x1, v35;
	v34 =	vnsel vm0, $0x1, v34  }
0x5f: {  	v35 =	vand.u32 v1, v35;
	v32 =	vsub.s32 $0x1, v34;
	v34 =	vperm.xlane v30, v23  }
0x60: {  	v40 =	vperm.xlane v30, v21;
	v37 =	vand.u32 v5, v32;
	v32 =	vsub.s32 v30, v43  }
0x61: {  	v33 =	vadd.s32 v42, v33;
	v43 =	vperm.xlane v30, v2;
	v44 =	vsub.s32 $0x0, v32  }
0x62: {  	v42 =	vmin.u32 v32, v44;
	v44 =	vperm.xlane v30, v8;
	v32 =	vsub.s32 v30, v41  }
0x63: {  	v41 =	vsub.s32 v30, v43;
	v43 =	vperm.xlane v30, v19;
	vm0 =	vlt.s32 v42, $0x1  }
0x64: {  	v33 =	vadd.s32 v36, v33;
	v45 =	vsub.s32 $0x0, v41;
	v42 =	vnsel vm0, $0x1, v42  }
0x65: {  	v33 =	vadd.s32 v39, v33;
	v36 =	vsub.s32 $0x1, v42;
	v42 =	vperm.xlane v30, v10  }
0x66: {  	v39 =	vsub.s32 v30, v44;
	v44 =	vperm.xlane v30, v17;
	v36 =	vand.u32 v7, v36  }
0x67: {  	v46 =	vadd.s32 $0xFFFFFF01, v33;
	v41 =	vmin.u32 v41, v45;
	v45 =	vsub.s32 $0x0, v39  }
0x68: {  	v33 =	vadd.s32 v38, v33;
	vm0 =	vlt.s32 v41, $0x1;
	v39 =	vmin.u32 v39, v45  }
0x69: {  	v38 =	vperm.xlane v30, v12;
	vm2 =	vgt.s32 v46, $0x0;
	vm1 =	vlt.s32 v39, $0x1  }
0x6a: {  	v33 =	vsel vm2, $0xFFFFFFFF, v33;
	v41 =	vnsel vm0, $0x1, v41;
	v42 =	vsub.s32 v30, v42  }
0x6b: {  	v46 =	vperm.xlane v30, v13;
	v39 =	vnsel vm1, $0x1, v39;
	v45 =	vsub.s32 $0x0, v42;
	[tilespmem:s10+$0x80] =	vst v33;
	s10 =	smov.u32 s13  }
0x6c: {  	v33 =	vsub.s32 $0x1, v41;
	v41 =	vmin.u32 v42, v45;
	v42 =	vperm.xlane v30, v15  }
0x6d: {  	v45 =	vsub.s32 v30, v46;
	v33 =	vand.u32 v3, v33;
	vm0 =	vlt.s32 v41, $0x1  }
0x6e: {  	v33 =	vadd.s32 v35, v33;
	v35 =	vsub.s32 $0x1, v39;
	v39 =	vnsel vm0, $0x1, v41  }
0x6f: {  	v33 =	vadd.s32 v37, v33;
	v35 =	vand.u32 v9, v35;
	v37 =	vsub.s32 v30, v38  }
0x70: {  	v38 =	vsub.s32 v30, v43;
	v33 =	vadd.s32 v36, v33;
	v36 =	vsub.s32 $0x0, v37  }
0x71: {  	v41 =	vsub.s32 v30, v44;
	v36 =	vmin.u32 v37, v36;
	v37 =	vsub.s32 v30, v42  }
0x72: {  	v39 =	vsub.s32 $0x1, v39;
	v42 =	vsub.s32 $0x0, v41;
	vm0 =	vlt.s32 v36, $0x1  }
0x73: {  	v43 =	vand.u32 v11, v39;
	v41 =	vmin.u32 v41, v42;
	v36 =	vnsel vm0, $0x1, v36  }
0x74: {  	v33 =	vadd.s32 v35, v33;
	v35 =	vsub.s32 $0x0, v37;
	vm0 =	vlt.s32 v41, $0x1  }
0x75: {  	v40 =	vsub.s32 v30, v40;
	v35 =	vmin.u32 v37, v35;
	v37 =	vsub.s32 $0x0, v38  }
0x76: {  	v34 =	vsub.s32 v30, v34;
	v42 =	vsub.s32 $0x1, v36;
	v44 =	vmin.u32 v38, v37  }
0x77: {  	v46 =	vsub.s32 $0x0, v34;
	v36 =	vsub.s32 $0x0, v45;
	v38 =	vsub.s32 $0x0, v40  }
0x78: {  	v37 =	vnsel vm0, $0x1, v41;
	v39 =	vmin.u32 v45, v36;
	v40 =	vmin.u32 v40, v38;
	v47 =	vld [tilespmem:s11+$0x0]  }
0x79: {  	v36 =	vadd.s32 v43, v33;
	vm0 =	vlt.s32 v44, $0x1;
	vm1 =	vlt.s32 v40, $0x1  }
0x7a: {  	v38 =	vand.u32 v14, v42;
	v41 =	vnsel vm0, $0x1, v44;
	v33 =	vnsel vm1, $0x1, v40  }
.Ltmp0:
0x7b: {  	v42 =	vmin.u32 v34, v46;
	vm0 =	vlt.s32 v35, $0x1;
	v33 =	vsub.s32 $0x1, v33;
	(pc) =	sbr.rel @p0 .LBB2_2-.Ltmp0, $4  }
0x7c: {  	v34 =	vnsel vm0, $0x1, v35;
	vm0 =	vlt.s32 v42, $0x1;
	v33 =	vand.u32 v22, v33  }
0x7d: {  	v41 =	vsub.s32 $0x1, v41;
	v35 =	vsub.s32 $0x1, v34;
	v34 =	vperm.xlane v47, v30  }
0x7e: {  	v40 =	vand.u32 v16, v35;
	v35 =	vand.u32 v20, v41;
	v41 =	vnsel vm0, $0x1, v42  }
0x7f: {  	s14 =	smov.u32 s12;
	vm0 =	vlt.s32 v39, $0x1;
	v42 =	vsub.s32 $0x1, v41;
	v41 =	vsub.s32 $0x0, v32  }
0x80: {  	v39 =	vnsel vm0, $0x1, v39  }
0x81: {  	v39 =	vsub.s32 $0x1, v39  }
0x82: {  	v36 =	vadd.s32 v38, v36;
	v61 =	vand.u32 v28, v39  }
0x83: {  	v37 =	vsub.s32 $0x1, v37;
	v31 =	vsub.s32 v30, v31;
	v36 =	vadd.s32 v61, v36  }
0x84: {  	v62 =	vand.u32 v24, v42;
	v37 =	vand.u32 v18, v37;
	v36 =	vadd.s32 v40, v36  }
0x85: {  	v32 =	vmin.u32 v32, v41;
	v63 =	vsub.s32 $0x0, v31;
	v36 =	vadd.s32 v37, v36  }
0x86: {  	vm13 =	vlt.s32 v32, $0x1;
	v31 =	vmin.u32 v31, v63;
	v35 =	vadd.s32 v35, v36  }
0x87: {  	v32 =	vnsel vm13, $0x1, v32;
	vm14 =	vlt.s32 v31, $0x1;
	v34 =	vadd.s32 v34, v35  }
0x88: {  	v32 =	vsub.s32 $0x1, v32;
	v31 =	vnsel vm14, $0x1, v31;
	v33 =	vadd.s32 v33, v34  }
0x89: {  	v32 =	vand.u32 v26, v32;
	v31 =	vsub.s32 $0x1, v31;
	v33 =	vadd.s32 v62, v33  }
0x8a: {  	v31 =	vand.u32 v29, v31;
	v32 =	vadd.s32 v32, v33  }
0x8b: {  	v31 =	vadd.s32 v31, v32  }
0x8c: {  	v30 =	vshll.u32 v30, $0x8;
	v32 =	vadd.s32 $0xFFFFFF01, v31  }
0x8d: {  	s9 =	sadd.s32 $0x1, s9;
	v30 =	vadd.s32 v30, v31;
	vm15 =	vgt.s32 v32, $0x0  }
0x8e: {  	p0 =	sne.s32 s9, s6;
	v30 =	vsel vm15, $0xFFFFFFFF, v30  }
.Ltmp1:
0x8f: {  	[tilespmem:s10+$0x80] =	vst v30;
	(pc) =	sbr.rel @p0 .LBB2_1-.Ltmp1, $4  }
0x90: {  	[hbm4b:s5+s2] =	stream.linear.scatter [tilespmem:s8], [sflag:$0x1], $0x80, $0x38;
	[tilespmem:$0x500] =	vst v63  }
0x91: {  	_ =	swait.ge [sflag:s7], $0x80  }
0x92: {  	[sflag:s7] =	ssyncset.done $0x0  }
0x93: {  	[sflag:s7] =	ssyncadd.s32 $0xFFFFFF80  }
0x94: {  	_ =	sfence.sel $0x180000  }
0x95: {  	[bflag:$0x0] =	sbarrier.arrive $0xFFFF  }
0x96: {  	p0 =	sne.s32 s0, $0x0;
	_ =	strace $0x90000047  }
0x97: {  	s0 =	sadd.s32 @!p0 $0x100000, s1;
	[bflag:$0x2] =	sbarrier.arrive $0xFFFF  }
0x98: {  	[sflag:s0] =	ssyncadd.tile.s32 @!p0 $0x1;
	_ =	shalt  }
.Lfunc_end2:
_tile_overlayer_lowered:
.L_overlay_start_2:
0x99: {  	(tag) =	ssettag $0x2  }
0x9a: {  	s0 =	rddreg [dreg:$0x0];
	s2 =	stileid.u32  }
0x9b: {  	s1 =	rddreg [dreg:$0x1];
	p0 =	sne.s32 s2, $0x0  }
0x9c: {  	s3 =	rddreg [dreg:$0x2];
	[bflag:$0x3] =	sbarrier.arrive $0xFFFF;
	s2 =	simm.s32 @!p0 $0x1C01  }
0x9d: {  	[timem:s3], [sflag:s2] =	dma.local @!p0 [hbm:s0], s1  }
0x9e: {  	s0 =	simm.s32 @!p0 $0x1  }
0x9f: {  	_ =	swait.ge @!p0 [sflag:s0], s1  }
0xa0: {  	s1 =	ssub.s32 @!p0 $0x0, s1;
	[sflag:s0] =	ssyncset.done @!p0 $0x0  }
0xa1: {  	[sflag:s0] =	ssyncadd.s32 @!p0 s1  }
0xa2: {  	[bflag:$0x3] =	sbarrier.arrive $0xFFFF  }
0xa3: {  	_ =	shalt  }

</sc_bundles>
